<compile_context>
chip_gen: v7x
topology: tpu7x:2x2x1
jax: 0.10.2.dev20260603
libtpu: 0.0.44.dev20260713+nightly
codegen_flags: <defaults>
</compile_context>

<pallas_src>
import functools

import jax
import jax.numpy as jnp
from jax import lax
from jax.experimental import pallas as pl
from jax.experimental.pallas import tpu as pltpu
from jax.experimental.pallas import tpu_sc as plsc

N_NODES = 10000
N_EDGES = 320000
D_FEAT = 128
N_OUT = 7

NPAD = 10240
KF = 8
KH = 4
NW = 32
EPW = N_EDGES // NW


def _tc_project(x, w_t, ei):
    blk = 2048
    eblk = N_EDGES // (NPAD // blk)

    def body(x_ref, w_ref, ei_ref, out_ref, src_ref, dst_ref):
        out_ref[...] = lax.dot_general(
            w_ref[...], x_ref[...],
            (((1,), (1,)), ((), ())),
            preferred_element_type=jnp.float32,
        )
        e = pl.program_id(0) * eblk
        src_ref[pl.ds(e, eblk)] = ei_ref[0]
        dst_ref[pl.ds(e, eblk)] = ei_ref[1]

    return pl.pallas_call(
        body,
        grid=(NPAD // blk,),
        in_specs=[
            pl.BlockSpec((blk, D_FEAT), lambda i: (i, 0)),
            pl.BlockSpec((KF, D_FEAT), lambda i: (0, 0)),
            pl.BlockSpec((2, eblk), lambda i: (0, i)),
        ],
        out_specs=[
            pl.BlockSpec((KF, blk), lambda i: (0, i)),
            pl.BlockSpec((N_EDGES,), lambda i: (0,)),
            pl.BlockSpec((N_EDGES,), lambda i: (0,)),
        ],
        out_shape=[
            jax.ShapeDtypeStruct((KF, NPAD), jnp.float32),
            jax.ShapeDtypeStruct((N_EDGES,), jnp.int32),
            jax.ShapeDtypeStruct((N_EDGES,), jnp.int32),
        ],
    )(x, w_t, ei)


def _sc_scatter(xw_t, src, dst, edge_weight):
    mesh = plsc.VectorSubcoreMesh(core_axis_name="c", subcore_axis_name="s")
    half = KH * NPAD

    @functools.partial(
        pl.kernel,
        mesh=mesh,
        out_type=jax.ShapeDtypeStruct((NW, KF * NPAD), jnp.float32),
        scratch_types=[
            pltpu.VMEM((half,), jnp.float32),
            pltpu.VMEM((half,), jnp.float32),
            pltpu.VMEM((EPW,), jnp.int32),
            pltpu.VMEM((EPW,), jnp.int32),
            pltpu.VMEM((EPW,), jnp.float32),
            pltpu.SemaphoreType.DMA,
        ],
        compiler_params=pltpu.CompilerParams(needs_layout_passes=False),
    )
    def sc_kernel(xwt_hbm, src_hbm, dst_hbm, ew_hbm, out_hbm,
                  table_v, accum_v, src_v, dst_v, wgt_v, sem):
        wid = lax.axis_index("c") * 16 + lax.axis_index("s")
        e0 = wid * EPW
        cps = [
            pltpu.async_copy(src_hbm.at[pl.ds(e0, EPW)], src_v, sem),
            pltpu.async_copy(dst_hbm.at[pl.ds(e0, EPW)], dst_v, sem),
            pltpu.async_copy(ew_hbm.at[pl.ds(e0, EPW)], wgt_v, sem),
            pltpu.async_copy(xwt_hbm.at[pl.ds(0, half)], table_v, sem),
        ]

        def zero_accum():
            @plsc.parallel_loop(0, half, 16, unroll=8)
            def _(b):
                accum_v[pl.ds(b, 16)] = jnp.zeros((16,), jnp.float32)

        def edge_loop():
            @plsc.parallel_loop(0, EPW, 16, unroll=8)
            def _(b):
                sv = src_v[pl.ds(b, 16)]
                dv = dst_v[pl.ds(b, 16)]
                wv = wgt_v[pl.ds(b, 16)]
                for k in range(KH):
                    vals = plsc.load_gather(table_v, [sv + (k * NPAD)])
                    plsc.addupdate_scatter(accum_v, [dv + (k * NPAD)], vals * wv)

        zero_accum()
        for cp in cps:
            cp.wait()
        edge_loop()

        cp_t = pltpu.async_copy(xwt_hbm.at[pl.ds(half, half)], table_v, sem)
        pltpu.sync_copy(accum_v, out_hbm.at[wid, pl.ds(0, half)])
        zero_accum()
        cp_t.wait()
        edge_loop()
        pltpu.sync_copy(accum_v, out_hbm.at[wid, pl.ds(half, half)])

    return sc_kernel(xw_t.reshape(KF * NPAD), src, dst, edge_weight)


def _tc_reduce_softmax(partials):
    blk = 1024

    nblk = NPAD // blk

    def body(*refs):
        out_ref = refs[KF]
        s = jnp.concatenate([jnp.sum(refs[k][...], axis=0, keepdims=True)
                             for k in range(KF)], axis=0)
        valid = lax.broadcasted_iota(jnp.int32, (KF, blk), 0) < N_OUT
        m = jnp.max(jnp.where(valid, s, -jnp.inf), axis=0, keepdims=True)
        e = jnp.where(valid, jnp.exp(s - m), 0.0)
        sm = e / jnp.sum(e, axis=0, keepdims=True)
        out_ref[...] = sm.T[:, :N_OUT]

    return pl.pallas_call(
        body,
        grid=(nblk,),
        in_specs=[
            pl.BlockSpec((NW, blk), lambda i, k=k: (0, k * nblk + i))
            for k in range(KF)
        ],
        out_specs=pl.BlockSpec((blk, N_OUT), lambda i: (i, 0)),
        out_shape=jax.ShapeDtypeStruct((N_NODES, N_OUT), jnp.float32),
    )(*([partials] * KF))


def kernel(x, edge_index, edge_weight, W):
    w_t = jnp.zeros((KF, D_FEAT), jnp.float32).at[:N_OUT].set(W.T)
    ei = edge_index.astype(jnp.int32)
    xw_t, src, dst = _tc_project(x, w_t, ei)
    partials = _sc_scatter(xw_t, src, dst, edge_weight)
    return _tc_reduce_softmax(partials)

# --- scband reference (transcript-rebuilt; emitter-appended) ---
"""Pipeline reference for scband-simple-gcnnet-36859409334535 (READ-ONLY COPY).

The authoritative reference and input builder live on the scoring server;
editing this copy changes nothing except your own understanding.
"""

import jax, jax.numpy as jnp
import numpy as np

N_NODES = 10000
N_EDGES = 320000
D_FEAT = 128
N_OUT = 7


def setup_inputs(seed: int = 0) -> dict:
    key = jax.random.key(seed)
    k1, k2, k3, k4 = jax.random.split(key, 4)
    x = jax.random.normal(k1, (N_NODES, D_FEAT), dtype=jnp.float32)
    edge_index = jax.random.randint(k2, (2, N_EDGES), 0, N_NODES, dtype=jnp.int64)
    # edge weights play the role of the SGC-preprocessed normalized adjacency values (a = D^-1/2 (A^K) D^-1/2)
    edge_weight = jax.random.uniform(k3, (N_EDGES,), dtype=jnp.float32)
    # GCNConv kernel: [d_feat, n_out], glorot-uniform-like init, no bias
    limit = float(np.sqrt(6.0 / (D_FEAT + N_OUT)))
    W = jax.random.uniform(k4, (D_FEAT, N_OUT), minval=-limit, maxval=limit, dtype=jnp.float32)
    return {"x": x, "edge_index": edge_index, "edge_weight": edge_weight, "W": W}


def reference(x, edge_index, edge_weight, W):
    # SimpleGCNNet.call: out = GCNConv(n_out, activation='softmax', use_bias=False)([x, a])
    # GCNConv computes softmax(a @ x @ W). a is the (pre-normalized, SGC-powered) sparse
    # adjacency represented here in COO form (edge_index, edge_weight).
    src = edge_index[0]
    dst = edge_index[1]
    xw = x @ W                                   # dense projection [N, n_out]
    msgs = jnp.take(xw, src, axis=0) * edge_weight[:, None]   # gather along edges
    agg = jax.ops.segment_sum(msgs, dst, num_segments=x.shape[0])  # scatter-add to dst nodes
    return jax.nn.softmax(agg, axis=-1)

if __name__ == "__main__":
    import jax
    _d = setup_inputs()
    print(jax.jit(kernel)(*tuple(_d.values())))

</pallas_src>

<mosaic_0001>
#map = affine_map<(d0, d1) -> (0)>
#map1 = affine_map<(d0, d1) -> (0, 0)>
module attributes {stable_mosaic.version = 14 : i64} {
  func.func @sc_kernel(%arg0: i32, %arg1: i32, %arg2: memref<81920xf32, #tpu.memory_space<hbm>>, %arg3: memref<320000xi32, #tpu.memory_space<hbm>>, %arg4: memref<320000xi32, #tpu.memory_space<hbm>>, %arg5: memref<320000xf32, #tpu.memory_space<hbm>>, %arg6: memref<32x81920xf32, #tpu.memory_space<hbm>>, %arg7: memref<40960xf32, #tpu.memory_space<vmem>>, %arg8: memref<40960xf32, #tpu.memory_space<vmem>>, %arg9: memref<10000xi32, #tpu.memory_space<vmem>>, %arg10: memref<10000xi32, #tpu.memory_space<vmem>>, %arg11: memref<10000xf32, #tpu.memory_space<vmem>>, %arg12: memref<!tpu.dma_semaphore, #tpu.memory_space<semaphore_mem>>) attributes {dimension_semantics = [#tpu.dimension_semantics<core_parallel>, #tpu.dimension_semantics<subcore_parallel>], iteration_bounds = array<i64: 2, 16>, scalar_prefetch = 0 : i64, scratch_operands = 6 : i64, tpu.core_type = #tpu.core_type<sc_vector_subcore>, window_params = [{transform_indices = #map}, {transform_indices = #map}, {transform_indices = #map}, {transform_indices = #map}, {transform_indices = #map1}]} {
    %mul3A = arith.constant 16 : i32
    %mul3A_0 = arith.muli %arg0, %mul3A : i32
    %add3A = arith.addi %mul3A_0, %arg1 : i32
    %mul3A_1 = arith.constant 10000 : i32
    %mul3A_2 = arith.muli %add3A, %mul3A_1 : i32
    %dma_start3A = tpu.memref_slice %arg3[%mul3A_2] : memref<320000xi32, #tpu.memory_space<hbm>> -> memref<10000xi32, #tpu.memory_space<hbm>>
    %dma_start3A_3 = tpu.memref_slice %arg3[%mul3A_2] : memref<320000xi32, #tpu.memory_space<hbm>> -> memref<10000xi32, #tpu.memory_space<hbm>>
    tpu.enqueue_dma source(%dma_start3A_3 : memref<10000xi32, #tpu.memory_space<hbm>>) target(%arg9 : memref<10000xi32, #tpu.memory_space<vmem>>) target_semaphore(%arg12 : memref<!tpu.dma_semaphore, #tpu.memory_space<semaphore_mem>>)
    %dma_start3A_4 = tpu.memref_slice %arg4[%mul3A_2] : memref<320000xi32, #tpu.memory_space<hbm>> -> memref<10000xi32, #tpu.memory_space<hbm>>
    %dma_start3A_5 = tpu.memref_slice %arg4[%mul3A_2] : memref<320000xi32, #tpu.memory_space<hbm>> -> memref<10000xi32, #tpu.memory_space<hbm>>
    tpu.enqueue_dma source(%dma_start3A_5 : memref<10000xi32, #tpu.memory_space<hbm>>) target(%arg10 : memref<10000xi32, #tpu.memory_space<vmem>>) target_semaphore(%arg12 : memref<!tpu.dma_semaphore, #tpu.memory_space<semaphore_mem>>)
    %dma_start3A_6 = tpu.memref_slice %arg5[%mul3A_2] : memref<320000xf32, #tpu.memory_space<hbm>> -> memref<10000xf32, #tpu.memory_space<hbm>>
    %dma_start3A_7 = tpu.memref_slice %arg5[%mul3A_2] : memref<320000xf32, #tpu.memory_space<hbm>> -> memref<10000xf32, #tpu.memory_space<hbm>>
    tpu.enqueue_dma source(%dma_start3A_7 : memref<10000xf32, #tpu.memory_space<hbm>>) target(%arg11 : memref<10000xf32, #tpu.memory_space<vmem>>) target_semaphore(%arg12 : memref<!tpu.dma_semaphore, #tpu.memory_space<semaphore_mem>>)
    %dma_start3A_8 = arith.constant 0 : i32
    %dma_start3A_9 = tpu.memref_slice %arg2[%dma_start3A_8] : memref<81920xf32, #tpu.memory_space<hbm>> -> memref<40960xf32, #tpu.memory_space<hbm>>
    %dma_start3A_10 = arith.constant 0 : i32
    %dma_start3A_11 = tpu.memref_slice %arg2[%dma_start3A_10] : memref<81920xf32, #tpu.memory_space<hbm>> -> memref<40960xf32, #tpu.memory_space<hbm>>
    tpu.enqueue_dma source(%dma_start3A_11 : memref<40960xf32, #tpu.memory_space<hbm>>) target(%arg7 : memref<40960xf32, #tpu.memory_space<vmem>>) target_semaphore(%arg12 : memref<!tpu.dma_semaphore, #tpu.memory_space<semaphore_mem>>)
    %parallel_loop3A = arith.constant 0 : i32
    %parallel_loop3A_12 = arith.constant 40960 : i32
    %parallel_loop3A_13 = arith.constant 16 : i32
    scf.for %parallel_loop3A_40 = %parallel_loop3A to %parallel_loop3A_12 step %parallel_loop3A_13  : i32 {
      %parallel_loop3A_41 = arith.constant 0.000000e+00 : f32
      %parallel_loop3A_42 = vector.broadcast %parallel_loop3A_41 : f32 to vector<16xf32>
      %parallel_loop3A_43 = arith.index_cast %parallel_loop3A_40 : i32 to index
      %parallel_loop3A_44 = tpu.vector_load %arg8[%parallel_loop3A_43] {strides = array<i32>} : memref<40960xf32, #tpu.memory_space<vmem>>, vector<16xf32>,
      tpu.vector_store %arg8[%parallel_loop3A_43], %parallel_loop3A_42 {strides = array<i32>} : memref<40960xf32, #tpu.memory_space<vmem>>, vector<16xf32>,
    } {sc.loop_unroll_factor = 8 : i64, sc.parallel_access}
    %dma_wait3A = tpu.memref_slice %arg3[%mul3A_2] : memref<320000xi32, #tpu.memory_space<hbm>> -> memref<10000xi32, #tpu.memory_space<hbm>>
    %dma_wait3A_14 = tpu.memref_slice %arg3[%mul3A_2] : memref<320000xi32, #tpu.memory_space<hbm>> -> memref<10000xi32, #tpu.memory_space<hbm>>
    tpu.wait_dma2 semaphore(%arg12 : memref<!tpu.dma_semaphore, #tpu.memory_space<semaphore_mem>>) src(%dma_wait3A_14 : memref<10000xi32, #tpu.memory_space<hbm>>) dst(%arg9 : memref<10000xi32, #tpu.memory_space<vmem>>)
    %dma_wait3A_15 = tpu.memref_slice %arg4[%mul3A_2] : memref<320000xi32, #tpu.memory_space<hbm>> -> memref<10000xi32, #tpu.memory_space<hbm>>
    %dma_wait3A_16 = tpu.memref_slice %arg4[%mul3A_2] : memref<320000xi32, #tpu.memory_space<hbm>> -> memref<10000xi32, #tpu.memory_space<hbm>>
    tpu.wait_dma2 semaphore(%arg12 : memref<!tpu.dma_semaphore, #tpu.memory_space<semaphore_mem>>) src(%dma_wait3A_16 : memref<10000xi32, #tpu.memory_space<hbm>>) dst(%arg10 : memref<10000xi32, #tpu.memory_space<vmem>>)
    %dma_wait3A_17 = tpu.memref_slice %arg5[%mul3A_2] : memref<320000xf32, #tpu.memory_space<hbm>> -> memref<10000xf32, #tpu.memory_space<hbm>>
    %dma_wait3A_18 = tpu.memref_slice %arg5[%mul3A_2] : memref<320000xf32, #tpu.memory_space<hbm>> -> memref<10000xf32, #tpu.memory_space<hbm>>
    tpu.wait_dma2 semaphore(%arg12 : memref<!tpu.dma_semaphore, #tpu.memory_space<semaphore_mem>>) src(%dma_wait3A_18 : memref<10000xf32, #tpu.memory_space<hbm>>) dst(%arg11 : memref<10000xf32, #tpu.memory_space<vmem>>)
    %dma_wait3A_19 = arith.constant 0 : i32
    %dma_wait3A_20 = tpu.memref_slice %arg2[%dma_wait3A_19] : memref<81920xf32, #tpu.memory_space<hbm>> -> memref<40960xf32, #tpu.memory_space<hbm>>
    %dma_wait3A_21 = arith.constant 0 : i32
    %dma_wait3A_22 = tpu.memref_slice %arg2[%dma_wait3A_21] : memref<81920xf32, #tpu.memory_space<hbm>> -> memref<40960xf32, #tpu.memory_space<hbm>>
    tpu.wait_dma2 semaphore(%arg12 : memref<!tpu.dma_semaphore, #tpu.memory_space<semaphore_mem>>) src(%dma_wait3A_22 : memref<40960xf32, #tpu.memory_space<hbm>>) dst(%arg7 : memref<40960xf32, #tpu.memory_space<vmem>>)
    %parallel_loop3A_23 = arith.constant 0 : i32
    %parallel_loop3A_24 = arith.constant 10000 : i32
    %parallel_loop3A_25 = arith.constant 16 : i32
    scf.for %parallel_loop3A_40 = %parallel_loop3A_23 to %parallel_loop3A_24 step %parallel_loop3A_25  : i32 {
      %parallel_loop3A_41 = arith.index_cast %parallel_loop3A_40 : i32 to index
      %parallel_loop3A_42 = tpu.vector_load %arg9[%parallel_loop3A_41] {strides = array<i32>} : memref<10000xi32, #tpu.memory_space<vmem>>, vector<16xi32>,
      %parallel_loop3A_43 = arith.index_cast %parallel_loop3A_40 : i32 to index
      %parallel_loop3A_44 = tpu.vector_load %arg10[%parallel_loop3A_43] {strides = array<i32>} : memref<10000xi32, #tpu.memory_space<vmem>>, vector<16xi32>,
      %parallel_loop3A_45 = arith.index_cast %parallel_loop3A_40 : i32 to index
      %parallel_loop3A_46 = tpu.vector_load %arg11[%parallel_loop3A_45] {strides = array<i32>} : memref<10000xf32, #tpu.memory_space<vmem>>, vector<16xf32>,
      %parallel_loop3A_47 = arith.constant 0 : i32
      %parallel_loop3A_48 = vector.broadcast %parallel_loop3A_47 : i32 to vector<16xi32>
      %parallel_loop3A_49 = arith.addi %parallel_loop3A_42, %parallel_loop3A_48 : vector<16xi32>
      %parallel_loop3A_50 = tpu.vector_load_idx %arg7[%parallel_loop3A_49] : memref<40960xf32, #tpu.memory_space<vmem>>[vector<16xi32>], vector<16xf32>,
      %parallel_loop3A_51 = arith.constant 0 : i32
      %parallel_loop3A_52 = vector.broadcast %parallel_loop3A_51 : i32 to vector<16xi32>
      %parallel_loop3A_53 = arith.addi %parallel_loop3A_44, %parallel_loop3A_52 : vector<16xi32>
      %parallel_loop3A_54 = arith.mulf %parallel_loop3A_50, %parallel_loop3A_46 : vector<16xf32>
      tpu.vector_store_idx %arg8[%parallel_loop3A_53], %parallel_loop3A_54 {add = true} : memref<40960xf32, #tpu.memory_space<vmem>>[vector<16xi32>], vector<16xf32>,
      %parallel_loop3A_55 = arith.constant 10240 : i32
      %parallel_loop3A_56 = vector.broadcast %parallel_loop3A_55 : i32 to vector<16xi32>
      %parallel_loop3A_57 = arith.addi %parallel_loop3A_42, %parallel_loop3A_56 : vector<16xi32>
      %parallel_loop3A_58 = tpu.vector_load_idx %arg7[%parallel_loop3A_57] : memref<40960xf32, #tpu.memory_space<vmem>>[vector<16xi32>], vector<16xf32>,
      %parallel_loop3A_59 = arith.constant 10240 : i32
      %parallel_loop3A_60 = vector.broadcast %parallel_loop3A_59 : i32 to vector<16xi32>
      %parallel_loop3A_61 = arith.addi %parallel_loop3A_44, %parallel_loop3A_60 : vector<16xi32>
      %parallel_loop3A_62 = arith.mulf %parallel_loop3A_58, %parallel_loop3A_46 : vector<16xf32>
      tpu.vector_store_idx %arg8[%parallel_loop3A_61], %parallel_loop3A_62 {add = true} : memref<40960xf32, #tpu.memory_space<vmem>>[vector<16xi32>], vector<16xf32>,
      %parallel_loop3A_63 = arith.constant 20480 : i32
      %parallel_loop3A_64 = vector.broadcast %parallel_loop3A_63 : i32 to vector<16xi32>
      %parallel_loop3A_65 = arith.addi %parallel_loop3A_42, %parallel_loop3A_64 : vector<16xi32>
      %parallel_loop3A_66 = tpu.vector_load_idx %arg7[%parallel_loop3A_65] : memref<40960xf32, #tpu.memory_space<vmem>>[vector<16xi32>], vector<16xf32>,
      %parallel_loop3A_67 = arith.constant 20480 : i32
      %parallel_loop3A_68 = vector.broadcast %parallel_loop3A_67 : i32 to vector<16xi32>
      %parallel_loop3A_69 = arith.addi %parallel_loop3A_44, %parallel_loop3A_68 : vector<16xi32>
      %parallel_loop3A_70 = arith.mulf %parallel_loop3A_66, %parallel_loop3A_46 : vector<16xf32>
      tpu.vector_store_idx %arg8[%parallel_loop3A_69], %parallel_loop3A_70 {add = true} : memref<40960xf32, #tpu.memory_space<vmem>>[vector<16xi32>], vector<16xf32>,
      %parallel_loop3A_71 = arith.constant 30720 : i32
      %parallel_loop3A_72 = vector.broadcast %parallel_loop3A_71 : i32 to vector<16xi32>
      %parallel_loop3A_73 = arith.addi %parallel_loop3A_42, %parallel_loop3A_72 : vector<16xi32>
      %parallel_loop3A_74 = tpu.vector_load_idx %arg7[%parallel_loop3A_73] : memref<40960xf32, #tpu.memory_space<vmem>>[vector<16xi32>], vector<16xf32>,
      %parallel_loop3A_75 = arith.constant 30720 : i32
      %parallel_loop3A_76 = vector.broadcast %parallel_loop3A_75 : i32 to vector<16xi32>
      %parallel_loop3A_77 = arith.addi %parallel_loop3A_44, %parallel_loop3A_76 : vector<16xi32>
      %parallel_loop3A_78 = arith.mulf %parallel_loop3A_74, %parallel_loop3A_46 : vector<16xf32>
      tpu.vector_store_idx %arg8[%parallel_loop3A_77], %parallel_loop3A_78 {add = true} : memref<40960xf32, #tpu.memory_space<vmem>>[vector<16xi32>], vector<16xf32>,
    } {sc.loop_unroll_factor = 8 : i64, sc.parallel_access}
    %dma_start3A_26 = arith.constant 40960 : i32
    %dma_start3A_27 = tpu.memref_slice %arg2[%dma_start3A_26] : memref<81920xf32, #tpu.memory_space<hbm>> -> memref<40960xf32, #tpu.memory_space<hbm>>
    %dma_start3A_28 = arith.constant 40960 : i32
    %dma_start3A_29 = tpu.memref_slice %arg2[%dma_start3A_28] : memref<81920xf32, #tpu.memory_space<hbm>> -> memref<40960xf32, #tpu.memory_space<hbm>>
    tpu.enqueue_dma source(%dma_start3A_29 : memref<40960xf32, #tpu.memory_space<hbm>>) target(%arg7 : memref<40960xf32, #tpu.memory_space<vmem>>) target_semaphore(%arg12 : memref<!tpu.dma_semaphore, #tpu.memory_space<semaphore_mem>>)
    "tpu.region"() ({
      %run_scoped3A = tpu.sem_alloc : memref<!tpu.dma_semaphore, #tpu.memory_space<semaphore_mem>>
      %dma_start3A_40 = arith.constant 0 : i32
      %dma_start3A_41 = tpu.memref_slice %arg6[%add3A, %dma_start3A_40] : memref<32x81920xf32, #tpu.memory_space<hbm>> -> memref<1x40960xf32, #tpu.memory_space<hbm>>
      %dma_start3A_42 = tpu.memref_squeeze %dma_start3A_41 : memref<1x40960xf32, #tpu.memory_space<hbm>> -> memref<40960xf32, #tpu.memory_space<hbm>>
      %dma_start3A_43 = arith.constant 0 : i32
      %dma_start3A_44 = tpu.memref_slice %arg6[%add3A, %dma_start3A_43] : memref<32x81920xf32, #tpu.memory_space<hbm>> -> memref<1x40960xf32, #tpu.memory_space<hbm>>
      %dma_start3A_45 = tpu.memref_squeeze %dma_start3A_44 : memref<1x40960xf32, #tpu.memory_space<hbm>> -> memref<40960xf32, #tpu.memory_space<hbm>>
      tpu.enqueue_dma source(%arg8 : memref<40960xf32, #tpu.memory_space<vmem>>) target(%dma_start3A_45 : memref<40960xf32, #tpu.memory_space<hbm>>) target_semaphore(%run_scoped3A : memref<!tpu.dma_semaphore, #tpu.memory_space<semaphore_mem>>)
      %dma_wait3A_46 = arith.constant 0 : i32
      %dma_wait3A_47 = tpu.memref_slice %arg6[%add3A, %dma_wait3A_46] : memref<32x81920xf32, #tpu.memory_space<hbm>> -> memref<1x40960xf32, #tpu.memory_space<hbm>>
      %dma_wait3A_48 = tpu.memref_squeeze %dma_wait3A_47 : memref<1x40960xf32, #tpu.memory_space<hbm>> -> memref<40960xf32, #tpu.memory_space<hbm>>
      %dma_wait3A_49 = arith.constant 0 : i32
      %dma_wait3A_50 = tpu.memref_slice %arg6[%add3A, %dma_wait3A_49] : memref<32x81920xf32, #tpu.memory_space<hbm>> -> memref<1x40960xf32, #tpu.memory_space<hbm>>
      %dma_wait3A_51 = tpu.memref_squeeze %dma_wait3A_50 : memref<1x40960xf32, #tpu.memory_space<hbm>> -> memref<40960xf32, #tpu.memory_space<hbm>>
      tpu.wait_dma2 semaphore(%run_scoped3A : memref<!tpu.dma_semaphore, #tpu.memory_space<semaphore_mem>>) src(%arg8 : memref<40960xf32, #tpu.memory_space<vmem>>) dst(%dma_wait3A_51 : memref<40960xf32, #tpu.memory_space<hbm>>)
      tpu.yield
    }) : () -> ()
    %parallel_loop3A_30 = arith.constant 0 : i32
    %parallel_loop3A_31 = arith.constant 40960 : i32
    %parallel_loop3A_32 = arith.constant 16 : i32
    scf.for %parallel_loop3A_40 = %parallel_loop3A_30 to %parallel_loop3A_31 step %parallel_loop3A_32  : i32 {
      %parallel_loop3A_41 = arith.constant 0.000000e+00 : f32
      %parallel_loop3A_42 = vector.broadcast %parallel_loop3A_41 : f32 to vector<16xf32>
      %parallel_loop3A_43 = arith.index_cast %parallel_loop3A_40 : i32 to index
      %parallel_loop3A_44 = tpu.vector_load %arg8[%parallel_loop3A_43] {strides = array<i32>} : memref<40960xf32, #tpu.memory_space<vmem>>, vector<16xf32>,
      tpu.vector_store %arg8[%parallel_loop3A_43], %parallel_loop3A_42 {strides = array<i32>} : memref<40960xf32, #tpu.memory_space<vmem>>, vector<16xf32>,
    } {sc.loop_unroll_factor = 8 : i64, sc.parallel_access}
    %dma_wait3A_33 = arith.constant 40960 : i32
    %dma_wait3A_34 = tpu.memref_slice %arg2[%dma_wait3A_33] : memref<81920xf32, #tpu.memory_space<hbm>> -> memref<40960xf32, #tpu.memory_space<hbm>>
    %dma_wait3A_35 = arith.constant 40960 : i32
    %dma_wait3A_36 = tpu.memref_slice %arg2[%dma_wait3A_35] : memref<81920xf32, #tpu.memory_space<hbm>> -> memref<40960xf32, #tpu.memory_space<hbm>>
    tpu.wait_dma2 semaphore(%arg12 : memref<!tpu.dma_semaphore, #tpu.memory_space<semaphore_mem>>) src(%dma_wait3A_36 : memref<40960xf32, #tpu.memory_space<hbm>>) dst(%arg7 : memref<40960xf32, #tpu.memory_space<vmem>>)
    %parallel_loop3A_37 = arith.constant 0 : i32
    %parallel_loop3A_38 = arith.constant 10000 : i32
    %parallel_loop3A_39 = arith.constant 16 : i32
    scf.for %parallel_loop3A_40 = %parallel_loop3A_37 to %parallel_loop3A_38 step %parallel_loop3A_39  : i32 {
      %parallel_loop3A_41 = arith.index_cast %parallel_loop3A_40 : i32 to index
      %parallel_loop3A_42 = tpu.vector_load %arg9[%parallel_loop3A_41] {strides = array<i32>} : memref<10000xi32, #tpu.memory_space<vmem>>, vector<16xi32>,
      %parallel_loop3A_43 = arith.index_cast %parallel_loop3A_40 : i32 to index
      %parallel_loop3A_44 = tpu.vector_load %arg10[%parallel_loop3A_43] {strides = array<i32>} : memref<10000xi32, #tpu.memory_space<vmem>>, vector<16xi32>,
      %parallel_loop3A_45 = arith.index_cast %parallel_loop3A_40 : i32 to index
      %parallel_loop3A_46 = tpu.vector_load %arg11[%parallel_loop3A_45] {strides = array<i32>} : memref<10000xf32, #tpu.memory_space<vmem>>, vector<16xf32>,
      %parallel_loop3A_47 = arith.constant 0 : i32
      %parallel_loop3A_48 = vector.broadcast %parallel_loop3A_47 : i32 to vector<16xi32>
      %parallel_loop3A_49 = arith.addi %parallel_loop3A_42, %parallel_loop3A_48 : vector<16xi32>
      %parallel_loop3A_50 = tpu.vector_load_idx %arg7[%parallel_loop3A_49] : memref<40960xf32, #tpu.memory_space<vmem>>[vector<16xi32>], vector<16xf32>,
      %parallel_loop3A_51 = arith.constant 0 : i32
      %parallel_loop3A_52 = vector.broadcast %parallel_loop3A_51 : i32 to vector<16xi32>
      %parallel_loop3A_53 = arith.addi %parallel_loop3A_44, %parallel_loop3A_52 : vector<16xi32>
      %parallel_loop3A_54 = arith.mulf %parallel_loop3A_50, %parallel_loop3A_46 : vector<16xf32>
      tpu.vector_store_idx %arg8[%parallel_loop3A_53], %parallel_loop3A_54 {add = true} : memref<40960xf32, #tpu.memory_space<vmem>>[vector<16xi32>], vector<16xf32>,
      %parallel_loop3A_55 = arith.constant 10240 : i32
      %parallel_loop3A_56 = vector.broadcast %parallel_loop3A_55 : i32 to vector<16xi32>
      %parallel_loop3A_57 = arith.addi %parallel_loop3A_42, %parallel_loop3A_56 : vector<16xi32>
      %parallel_loop3A_58 = tpu.vector_load_idx %arg7[%parallel_loop3A_57] : memref<40960xf32, #tpu.memory_space<vmem>>[vector<16xi32>], vector<16xf32>,
      %parallel_loop3A_59 = arith.constant 10240 : i32
      %parallel_loop3A_60 = vector.broadcast %parallel_loop3A_59 : i32 to vector<16xi32>
      %parallel_loop3A_61 = arith.addi %parallel_loop3A_44, %parallel_loop3A_60 : vector<16xi32>
      %parallel_loop3A_62 = arith.mulf %parallel_loop3A_58, %parallel_loop3A_46 : vector<16xf32>
      tpu.vector_store_idx %arg8[%parallel_loop3A_61], %parallel_loop3A_62 {add = true} : memref<40960xf32, #tpu.memory_space<vmem>>[vector<16xi32>], vector<16xf32>,
      %parallel_loop3A_63 = arith.constant 20480 : i32
      %parallel_loop3A_64 = vector.broadcast %parallel_loop3A_63 : i32 to vector<16xi32>
      %parallel_loop3A_65 = arith.addi %parallel_loop3A_42, %parallel_loop3A_64 : vector<16xi32>
      %parallel_loop3A_66 = tpu.vector_load_idx %arg7[%parallel_loop3A_65] : memref<40960xf32, #tpu.memory_space<vmem>>[vector<16xi32>], vector<16xf32>,
      %parallel_loop3A_67 = arith.constant 20480 : i32
      %parallel_loop3A_68 = vector.broadcast %parallel_loop3A_67 : i32 to vector<16xi32>
      %parallel_loop3A_69 = arith.addi %parallel_loop3A_44, %parallel_loop3A_68 : vector<16xi32>
      %parallel_loop3A_70 = arith.mulf %parallel_loop3A_66, %parallel_loop3A_46 : vector<16xf32>
      tpu.vector_store_idx %arg8[%parallel_loop3A_69], %parallel_loop3A_70 {add = true} : memref<40960xf32, #tpu.memory_space<vmem>>[vector<16xi32>], vector<16xf32>,
      %parallel_loop3A_71 = arith.constant 30720 : i32
      %parallel_loop3A_72 = vector.broadcast %parallel_loop3A_71 : i32 to vector<16xi32>
      %parallel_loop3A_73 = arith.addi %parallel_loop3A_42, %parallel_loop3A_72 : vector<16xi32>
      %parallel_loop3A_74 = tpu.vector_load_idx %arg7[%parallel_loop3A_73] : memref<40960xf32, #tpu.memory_space<vmem>>[vector<16xi32>], vector<16xf32>,
      %parallel_loop3A_75 = arith.constant 30720 : i32
      %parallel_loop3A_76 = vector.broadcast %parallel_loop3A_75 : i32 to vector<16xi32>
      %parallel_loop3A_77 = arith.addi %parallel_loop3A_44, %parallel_loop3A_76 : vector<16xi32>
      %parallel_loop3A_78 = arith.mulf %parallel_loop3A_74, %parallel_loop3A_46 : vector<16xf32>
      tpu.vector_store_idx %arg8[%parallel_loop3A_77], %parallel_loop3A_78 {add = true} : memref<40960xf32, #tpu.memory_space<vmem>>[vector<16xi32>], vector<16xf32>,
    } {sc.loop_unroll_factor = 8 : i64, sc.parallel_access}
    "tpu.region"() ({
      %run_scoped3A = tpu.sem_alloc : memref<!tpu.dma_semaphore, #tpu.memory_space<semaphore_mem>>
      %dma_start3A_40 = arith.constant 40960 : i32
      %dma_start3A_41 = tpu.memref_slice %arg6[%add3A, %dma_start3A_40] : memref<32x81920xf32, #tpu.memory_space<hbm>> -> memref<1x40960xf32, #tpu.memory_space<hbm>>
      %dma_start3A_42 = tpu.memref_squeeze %dma_start3A_41 : memref<1x40960xf32, #tpu.memory_space<hbm>> -> memref<40960xf32, #tpu.memory_space<hbm>>
      %dma_start3A_43 = arith.constant 40960 : i32
      %dma_start3A_44 = tpu.memref_slice %arg6[%add3A, %dma_start3A_43] : memref<32x81920xf32, #tpu.memory_space<hbm>> -> memref<1x40960xf32, #tpu.memory_space<hbm>>
      %dma_start3A_45 = tpu.memref_squeeze %dma_start3A_44 : memref<1x40960xf32, #tpu.memory_space<hbm>> -> memref<40960xf32, #tpu.memory_space<hbm>>
      tpu.enqueue_dma source(%arg8 : memref<40960xf32, #tpu.memory_space<vmem>>) target(%dma_start3A_45 : memref<40960xf32, #tpu.memory_space<hbm>>) target_semaphore(%run_scoped3A : memref<!tpu.dma_semaphore, #tpu.memory_space<semaphore_mem>>)
      %dma_wait3A_46 = arith.constant 40960 : i32
      %dma_wait3A_47 = tpu.memref_slice %arg6[%add3A, %dma_wait3A_46] : memref<32x81920xf32, #tpu.memory_space<hbm>> -> memref<1x40960xf32, #tpu.memory_space<hbm>>
      %dma_wait3A_48 = tpu.memref_squeeze %dma_wait3A_47 : memref<1x40960xf32, #tpu.memory_space<hbm>> -> memref<40960xf32, #tpu.memory_space<hbm>>
      %dma_wait3A_49 = arith.constant 40960 : i32
      %dma_wait3A_50 = tpu.memref_slice %arg6[%add3A, %dma_wait3A_49] : memref<32x81920xf32, #tpu.memory_space<hbm>> -> memref<1x40960xf32, #tpu.memory_space<hbm>>
      %dma_wait3A_51 = tpu.memref_squeeze %dma_wait3A_50 : memref<1x40960xf32, #tpu.memory_space<hbm>> -> memref<40960xf32, #tpu.memory_space<hbm>>
      tpu.wait_dma2 semaphore(%run_scoped3A : memref<!tpu.dma_semaphore, #tpu.memory_space<semaphore_mem>>) src(%arg8 : memref<40960xf32, #tpu.memory_space<vmem>>) dst(%dma_wait3A_51 : memref<40960xf32, #tpu.memory_space<hbm>>)
      tpu.yield
    }) : () -> ()
    return
  }
}

module attributes {stable_mosaic.version = 14 : i64} {
  func.func @body(%arg0: i32, %arg1: memref<32x1024xf32, #tpu.memory_space<vmem>>, %arg2: memref<32x1024xf32, #tpu.memory_space<vmem>>, %arg3: memref<32x1024xf32, #tpu.memory_space<vmem>>, %arg4: memref<32x1024xf32, #tpu.memory_space<vmem>>, %arg5: memref<32x1024xf32, #tpu.memory_space<vmem>>, %arg6: memref<32x1024xf32, #tpu.memory_space<vmem>>, %arg7: memref<32x1024xf32, #tpu.memory_space<vmem>>, %arg8: memref<32x1024xf32, #tpu.memory_space<vmem>>, %arg9: memref<1024x7xf32, #tpu.memory_space<vmem>>) attributes {dimension_semantics = [#tpu.dimension_semantics<arbitrary>], iteration_bounds = array<i64: 10>, scalar_prefetch = 0 : i64, scratch_operands = 0 : i64, tpu.core_type = #tpu.core_type<tc>, window_params = [{transform_indices = @transform_0, window_bounds = array<i64: 32, 1024>}, {transform_indices = @transform_1, window_bounds = array<i64: 32, 1024>}, {transform_indices = @transform_2, window_bounds = array<i64: 32, 1024>}, {transform_indices = @transform_3, window_bounds = array<i64: 32, 1024>}, {transform_indices = @transform_4, window_bounds = array<i64: 32, 1024>}, {transform_indices = @transform_5, window_bounds = array<i64: 32, 1024>}, {transform_indices = @transform_6, window_bounds = array<i64: 32, 1024>}, {transform_indices = @transform_7, window_bounds = array<i64: 32, 1024>}, {transform_indices = @transform_8, window_bounds = array<i64: 1024, 7>}]} {
    %get3A = arith.constant 0 : index
    %get3A_0 = arith.constant 0 : index
    %get3A_1 = vector.load %arg1[%get3A, %get3A_0] : memref<32x1024xf32, #tpu.memory_space<vmem>>, vector<32x1024xf32>
    %reduce_sum3A = arith.constant dense<0.000000e+00> : vector<1024xf32>
    %reduce_sum3A_2 = vector.multi_reduction <add>, %get3A_1, %reduce_sum3A [0] : vector<32x1024xf32> to vector<1024xf32>
    %broadcast_in_dim3A = vector.shape_cast %reduce_sum3A_2 : vector<1024xf32> to vector<1x1024xf32>
    %get3A_3 = arith.constant 0 : index
    %get3A_4 = arith.constant 0 : index
    %get3A_5 = vector.load %arg2[%get3A_3, %get3A_4] : memref<32x1024xf32, #tpu.memory_space<vmem>>, vector<32x1024xf32>
    %reduce_sum3A_6 = arith.constant dense<0.000000e+00> : vector<1024xf32>
    %reduce_sum3A_7 = vector.multi_reduction <add>, %get3A_5, %reduce_sum3A_6 [0] : vector<32x1024xf32> to vector<1024xf32>
    %broadcast_in_dim3A_8 = vector.shape_cast %reduce_sum3A_7 : vector<1024xf32> to vector<1x1024xf32>
    %get3A_9 = arith.constant 0 : index
    %get3A_10 = arith.constant 0 : index
    %get3A_11 = vector.load %arg3[%get3A_9, %get3A_10] : memref<32x1024xf32, #tpu.memory_space<vmem>>, vector<32x1024xf32>
    %reduce_sum3A_12 = arith.constant dense<0.000000e+00> : vector<1024xf32>
    %reduce_sum3A_13 = vector.multi_reduction <add>, %get3A_11, %reduce_sum3A_12 [0] : vector<32x1024xf32> to vector<1024xf32>
    %broadcast_in_dim3A_14 = vector.shape_cast %reduce_sum3A_13 : vector<1024xf32> to vector<1x1024xf32>
    %get3A_15 = arith.constant 0 : index
    %get3A_16 = arith.constant 0 : index
    %get3A_17 = vector.load %arg4[%get3A_15, %get3A_16] : memref<32x1024xf32, #tpu.memory_space<vmem>>, vector<32x1024xf32>
    %reduce_sum3A_18 = arith.constant dense<0.000000e+00> : vector<1024xf32>
    %reduce_sum3A_19 = vector.multi_reduction <add>, %get3A_17, %reduce_sum3A_18 [0] : vector<32x1024xf32> to vector<1024xf32>
    %broadcast_in_dim3A_20 = vector.shape_cast %reduce_sum3A_19 : vector<1024xf32> to vector<1x1024xf32>
    %get3A_21 = arith.constant 0 : index
    %get3A_22 = arith.constant 0 : index
    %get3A_23 = vector.load %arg5[%get3A_21, %get3A_22] : memref<32x1024xf32, #tpu.memory_space<vmem>>, vector<32x1024xf32>
    %reduce_sum3A_24 = arith.constant dense<0.000000e+00> : vector<1024xf32>
    %reduce_sum3A_25 = vector.multi_reduction <add>, %get3A_23, %reduce_sum3A_24 [0] : vector<32x1024xf32> to vector<1024xf32>
    %broadcast_in_dim3A_26 = vector.shape_cast %reduce_sum3A_25 : vector<1024xf32> to vector<1x1024xf32>
    %get3A_27 = arith.constant 0 : index
    %get3A_28 = arith.constant 0 : index
    %get3A_29 = vector.load %arg6[%get3A_27, %get3A_28] : memref<32x1024xf32, #tpu.memory_space<vmem>>, vector<32x1024xf32>
    %reduce_sum3A_30 = arith.constant dense<0.000000e+00> : vector<1024xf32>
    %reduce_sum3A_31 = vector.multi_reduction <add>, %get3A_29, %reduce_sum3A_30 [0] : vector<32x1024xf32> to vector<1024xf32>
    %broadcast_in_dim3A_32 = vector.shape_cast %reduce_sum3A_31 : vector<1024xf32> to vector<1x1024xf32>
    %get3A_33 = arith.constant 0 : index
    %get3A_34 = arith.constant 0 : index
    %get3A_35 = vector.load %arg7[%get3A_33, %get3A_34] : memref<32x1024xf32, #tpu.memory_space<vmem>>, vector<32x1024xf32>
    %reduce_sum3A_36 = arith.constant dense<0.000000e+00> : vector<1024xf32>
    %reduce_sum3A_37 = vector.multi_reduction <add>, %get3A_35, %reduce_sum3A_36 [0] : vector<32x1024xf32> to vector<1024xf32>
    %broadcast_in_dim3A_38 = vector.shape_cast %reduce_sum3A_37 : vector<1024xf32> to vector<1x1024xf32>
    %get3A_39 = arith.constant 0 : index
    %get3A_40 = arith.constant 0 : index
    %get3A_41 = vector.load %arg8[%get3A_39, %get3A_40] : memref<32x1024xf32, #tpu.memory_space<vmem>>, vector<32x1024xf32>
    %reduce_sum3A_42 = arith.constant dense<0.000000e+00> : vector<1024xf32>
    %reduce_sum3A_43 = vector.multi_reduction <add>, %get3A_41, %reduce_sum3A_42 [0] : vector<32x1024xf32> to vector<1024xf32>
    %broadcast_in_dim3A_44 = vector.shape_cast %reduce_sum3A_43 : vector<1024xf32> to vector<1x1024xf32>
    %concatenate3A = tpu.concatenate %broadcast_in_dim3A, %broadcast_in_dim3A_8, %broadcast_in_dim3A_14, %broadcast_in_dim3A_20, %broadcast_in_dim3A_26, %broadcast_in_dim3A_32, %broadcast_in_dim3A_38, %broadcast_in_dim3A_44 in 0 : vector<1x1024xf32>, vector<1x1024xf32>, vector<1x1024xf32>, vector<1x1024xf32>, vector<1x1024xf32>, vector<1x1024xf32>, vector<1x1024xf32>, vector<1x1024xf32> -> vector<8x1024xf32>
    %iota3A = tpu.iota {dimensions = array<i32: 0>} : vector<8x1024xi32>
    %lt3A = arith.constant 7 : i32
    %lt3A_45 = vector.broadcast %lt3A : i32 to vector<8x1024xi32>
    %lt3A_46 = arith.cmpi slt, %iota3A, %lt3A_45 : vector<8x1024xi32>
    %jit3A = arith.constant 0xFF800000 : f32
    %broadcast_in_dim3A_47 = vector.broadcast %jit3A : f32 to vector<8x1024xf32>
    %select_n3A = arith.select %lt3A_46, %concatenate3A, %broadcast_in_dim3A_47 : vector<8x1024xi1>, vector<8x1024xf32>
    %reduce_max3A = arith.constant dense<0xFF800000> : vector<1024xf32>
    %reduce_max3A_48 = vector.multi_reduction <maximumf>, %select_n3A, %reduce_max3A [0] : vector<8x1024xf32> to vector<1024xf32>
    %broadcast_in_dim3A_49 = vector.shape_cast %reduce_max3A_48 : vector<1024xf32> to vector<1x1024xf32>
    %sub3A = vector.broadcast %broadcast_in_dim3A_49 : vector<1x1024xf32> to vector<8x1024xf32>
    %sub3A_50 = arith.subf %concatenate3A, %sub3A : vector<8x1024xf32>
    %exp3A = math.exp %sub3A_50 : vector<8x1024xf32>
    %jit3A_51 = arith.constant 0.000000e+00 : f32
    %broadcast_in_dim3A_52 = vector.broadcast %jit3A_51 : f32 to vector<8x1024xf32>
    %select_n3A_53 = arith.select %lt3A_46, %exp3A, %broadcast_in_dim3A_52 : vector<8x1024xi1>, vector<8x1024xf32>
    %reduce_sum3A_54 = arith.constant dense<0.000000e+00> : vector<1024xf32>
    %reduce_sum3A_55 = vector.multi_reduction <add>, %select_n3A_53, %reduce_sum3A_54 [0] : vector<8x1024xf32> to vector<1024xf32>
    %broadcast_in_dim3A_56 = vector.shape_cast %reduce_sum3A_55 : vector<1024xf32> to vector<1x1024xf32>
    %div3A = vector.broadcast %broadcast_in_dim3A_56 : vector<1x1024xf32> to vector<8x1024xf32>
    %div3A_57 = arith.divf %select_n3A_53, %div3A : vector<8x1024xf32>
    %transpose3A = tpu.transpose %div3A_57, [1, 0] : vector<8x1024xf32> -> vector<1024x8xf32>
    %slice3A = vector.extract_strided_slice %transpose3A {offsets = [0, 0], sizes = [1024, 7], strides = [1, 1]} : vector<1024x8xf32> to vector<1024x7xf32>
    %swap3A = arith.constant 0 : index
    %swap3A_58 = arith.constant 0 : index
    %swap3A_59 = vector.load %arg9[%swap3A, %swap3A_58] : memref<1024x7xf32, #tpu.memory_space<vmem>>, vector<1024x7xf32>
    tpu.vector_store %arg9[%swap3A, %swap3A_58], %slice3A {strides = array<i32>} : memref<1024x7xf32, #tpu.memory_space<vmem>>, vector<1024x7xf32>,
    return
  }
  func.func @transform_0(%arg0: i32) -> (i32, i32) {
    %add3A = arith.constant 0 : i32
    %add3A_0 = arith.addi %add3A, %arg0 : i32
    %c0_i32 = arith.constant 0 : i32
    %c0_i32_1 = arith.constant 0 : i32
    return %c0_i32, %add3A_0 : i32, i32
  }
  func.func @transform_1(%arg0: i32) -> (i32, i32) {
    %add3A = arith.constant 10 : i32
    %add3A_0 = arith.addi %add3A, %arg0 : i32
    %c0_i32 = arith.constant 0 : i32
    %c0_i32_1 = arith.constant 0 : i32
    return %c0_i32, %add3A_0 : i32, i32
  }
  func.func @transform_2(%arg0: i32) -> (i32, i32) {
    %add3A = arith.constant 20 : i32
    %add3A_0 = arith.addi %add3A, %arg0 : i32
    %c0_i32 = arith.constant 0 : i32
    %c0_i32_1 = arith.constant 0 : i32
    return %c0_i32, %add3A_0 : i32, i32
  }
  func.func @transform_3(%arg0: i32) -> (i32, i32) {
    %add3A = arith.constant 30 : i32
    %add3A_0 = arith.addi %add3A, %arg0 : i32
    %c0_i32 = arith.constant 0 : i32
    %c0_i32_1 = arith.constant 0 : i32
    return %c0_i32, %add3A_0 : i32, i32
  }
  func.func @transform_4(%arg0: i32) -> (i32, i32) {
    %add3A = arith.constant 40 : i32
    %add3A_0 = arith.addi %add3A, %arg0 : i32
    %c0_i32 = arith.constant 0 : i32
    %c0_i32_1 = arith.constant 0 : i32
    return %c0_i32, %add3A_0 : i32, i32
  }
  func.func @transform_5(%arg0: i32) -> (i32, i32) {
    %add3A = arith.constant 50 : i32
    %add3A_0 = arith.addi %add3A, %arg0 : i32
    %c0_i32 = arith.constant 0 : i32
    %c0_i32_1 = arith.constant 0 : i32
    return %c0_i32, %add3A_0 : i32, i32
  }
  func.func @transform_6(%arg0: i32) -> (i32, i32) {
    %add3A = arith.constant 60 : i32
    %add3A_0 = arith.addi %add3A, %arg0 : i32
    %c0_i32 = arith.constant 0 : i32
    %c0_i32_1 = arith.constant 0 : i32
    return %c0_i32, %add3A_0 : i32, i32
  }
  func.func @transform_7(%arg0: i32) -> (i32, i32) {
    %add3A = arith.constant 70 : i32
    %add3A_0 = arith.addi %add3A, %arg0 : i32
    %c0_i32 = arith.constant 0 : i32
    %c0_i32_1 = arith.constant 0 : i32
    return %c0_i32, %add3A_0 : i32, i32
  }
  func.func @transform_8(%arg0: i32) -> (i32, i32) {
    %c0_i32 = arith.constant 0 : i32
    %c0_i32_0 = arith.constant 0 : i32
    return %arg0, %c0_i32 : i32, i32
  }
}

module attributes {stable_mosaic.version = 14 : i64} {
  func.func @body(%arg0: i32, %arg1: memref<2048x128xf32, #tpu.memory_space<vmem>>, %arg2: memref<8x128xf32, #tpu.memory_space<vmem>>, %arg3: memref<2x64000xi32, #tpu.memory_space<vmem>>, %arg4: memref<8x2048xf32, #tpu.memory_space<vmem>>, %arg5: memref<320000xi32, #tpu.memory_space<vmem>>, %arg6: memref<320000xi32, #tpu.memory_space<vmem>>) attributes {dimension_semantics = [#tpu.dimension_semantics<arbitrary>], iteration_bounds = array<i64: 5>, scalar_prefetch = 0 : i64, scratch_operands = 0 : i64, tpu.core_type = #tpu.core_type<tc>, window_params = [{transform_indices = @transform_0, window_bounds = array<i64: 2048, 128>}, {pipeline_mode = #tpu.pipeline_mode<synchronous>, transform_indices = @transform_1, window_bounds = array<i64: 8, 128>}, {transform_indices = @transform_2, window_bounds = array<i64: 2, 64000>}, {transform_indices = @transform_3, window_bounds = array<i64: 8, 2048>}, {pipeline_mode = #tpu.pipeline_mode<synchronous>, transform_indices = @transform_4, window_bounds = array<i64: 320000>}, {pipeline_mode = #tpu.pipeline_mode<synchronous>, transform_indices = @transform_5, window_bounds = array<i64: 320000>}]} {
    %get3A = arith.constant 0 : index
    %get3A_0 = arith.constant 0 : index
    %get3A_1 = vector.load %arg2[%get3A, %get3A_0] : memref<8x128xf32, #tpu.memory_space<vmem>>, vector<8x128xf32>
    %get3A_2 = arith.constant 0 : index
    %get3A_3 = arith.constant 0 : index
    %get3A_4 = vector.load %arg1[%get3A_2, %get3A_3] : memref<2048x128xf32, #tpu.memory_space<vmem>>, vector<2048x128xf32>
    %dot_general3A = arith.constant dense<0.000000e+00> : vector<8x2048xf32>
    %dot_general3A_5 = tpu.matmul %get3A_1, %get3A_4, %dot_general3A {dimension_numbers = #tpu.dot_dimension_numbers<[1], [1], [0], [0], [0, 0, 1, 0], [], []>, transpose_lhs_hint = false} : vector<8x128xf32>, vector<2048x128xf32>, vector<8x2048xf32> -> vector<8x2048xf32>
    %swap3A = arith.constant 0 : index
    %swap3A_6 = arith.constant 0 : index
    %swap3A_7 = vector.load %arg4[%swap3A, %swap3A_6] : memref<8x2048xf32, #tpu.memory_space<vmem>>, vector<8x2048xf32>
    tpu.vector_store %arg4[%swap3A, %swap3A_6], %dot_general3A_5 {strides = array<i32>} : memref<8x2048xf32, #tpu.memory_space<vmem>>, vector<8x2048xf32>,
    %mul3A = arith.constant 64000 : i32
    %mul3A_8 = arith.muli %arg0, %mul3A : i32
    %get3A_9 = arith.constant 0 : index
    %get3A_10 = arith.constant 0 : index
    %get3A_11 = vector.load %arg3[%get3A_9, %get3A_10] : memref<2x64000xi32, #tpu.memory_space<vmem>>, vector<1x64000xi32>
    %get3A_12 = vector.shape_cast %get3A_11 : vector<1x64000xi32> to vector<64000xi32>
    %swap3A_13 = arith.index_cast %mul3A_8 : i32 to index
    %swap3A_14 = vector.load %arg5[%swap3A_13] : memref<320000xi32, #tpu.memory_space<vmem>>, vector<64000xi32>
    tpu.vector_store %arg5[%swap3A_13], %get3A_12 {strides = array<i32>} : memref<320000xi32, #tpu.memory_space<vmem>>, vector<64000xi32>,
    %get3A_15 = arith.constant 1 : index
    %get3A_16 = arith.constant 0 : index
    %get3A_17 = vector.load %arg3[%get3A_15, %get3A_16] : memref<2x64000xi32, #tpu.memory_space<vmem>>, vector<1x64000xi32>
    %get3A_18 = vector.shape_cast %get3A_17 : vector<1x64000xi32> to vector<64000xi32>
    %swap3A_19 = arith.index_cast %mul3A_8 : i32 to index
    %swap3A_20 = vector.load %arg6[%swap3A_19] : memref<320000xi32, #tpu.memory_space<vmem>>, vector<64000xi32>
    tpu.vector_store %arg6[%swap3A_19], %get3A_18 {strides = array<i32>} : memref<320000xi32, #tpu.memory_space<vmem>>, vector<64000xi32>,
    return
  }
  func.func @transform_0(%arg0: i32) -> (i32, i32) {
    %c0_i32 = arith.constant 0 : i32
    %c0_i32_0 = arith.constant 0 : i32
    return %arg0, %c0_i32 : i32, i32
  }
  func.func @transform_1(%arg0: i32) -> (i32, i32) {
    %c0_i32 = arith.constant 0 : i32
    %c0_i32_0 = arith.constant 0 : i32
    %c0_i32_1 = arith.constant 0 : i32
    return %c0_i32, %c0_i32_0 : i32, i32
  }
  func.func @transform_2(%arg0: i32) -> (i32, i32) {
    %c0_i32 = arith.constant 0 : i32
    %c0_i32_0 = arith.constant 0 : i32
    return %c0_i32, %arg0 : i32, i32
  }
  func.func @transform_3(%arg0: i32) -> (i32, i32) {
    %c0_i32 = arith.constant 0 : i32
    %c0_i32_0 = arith.constant 0 : i32
    return %c0_i32, %arg0 : i32, i32
  }
  func.func @transform_4(%arg0: i32) -> i32 {
    %c0_i32 = arith.constant 0 : i32
    %c0_i32_0 = arith.constant 0 : i32
    return %c0_i32 : i32
  }
  func.func @transform_5(%arg0: i32) -> i32 {
    %c0_i32 = arith.constant 0 : i32
    %c0_i32_0 = arith.constant 0 : i32
    return %c0_i32 : i32
  }
}

</mosaic_0001>

<sc_bundles>
// kernel: kernel.5.cloned.1.call-start
scs
__scs_entry_jumppad:
0x0: {  	(pc) =	sbr.rel $0x88, $3  }
0x1: {  	(tag) =	ssettag $0x0;
	lr =	simm.s32 $0x1  }
0x2: {  	[smem:$0x3F9D] =	sst lr;
	_ =	strace $0xD0000000  }
0x3: {  	_ = 	snop  }
0x4: {  	_ = 	snop  }
0x5: {  	_ = 	snop  }
0x6: {  	_ = 	snop  }
0x7: {  	_ = 	snop  }
__scs_overlays_trampoline_lowered:
0x8: {  	[smem:$0x3FAC] =	sst s0  }
0x9: {  	[smem:$0x3FAD] =	sst s1  }
0xa: {  	[smem:$0x3FAE] =	sst s2  }
0xb: {  	[smem:$0x3FAF] =	sst s3  }
0xc: {  	[smem:$0x3FB0] =	sst s4  }
0xd: {  	[smem:$0x3FB1] =	sst s5  }
0xe: {  	[smem:$0x3FB2] =	sst s6  }
0xf: {  	[smem:$0x3FB3] =	sst s7  }
0x10: {  	[smem:$0x3FB4] =	sst s8  }
0x11: {  	[smem:$0x3FB5] =	sst s9;
	s0 =	simm.s32 @!p0 $0x0  }
0x12: {  	s1 =	sld [smem:$0x3F9B];
	s0 =	simm.s32 @p0 $0x1  }
0x13: {  	[smem:$0x3FB6] =	sst s0;
	s0 =	simm.s32 @!p1 $0x0  }
0x14: {  	s2 =	sld [smem:$0x3F9A];
	s0 =	simm.s32 @p1 $0x1  }
0x15: {  	[smem:$0x3FB7] =	sst s0;
	s0 =	simm.s32 @!p2 $0x0  }
0x16: {  	s3 =	sld [smem:$0x3FDB];
	s0 =	simm.s32 @p2 $0x1  }
0x17: {  	s4 =	simm.s32 $0x1BF5;
	[smem:$0x3FB9] =	sst s0  }
0x18: {  	s0 =	sld [smem:$0x3F9C];
	_ =	swait.ge [sflag:s4], $0x0  }
0x19: {  	s7 =	sld [smem:$0x3F9D]  }
0x1a: {  	s8 =	sadd.s32 $0xFFFFE003, lr  }
0x1b: {  	s9 =	sadd.s32 $0xFFFFFEF7, lr;
	s5 =	simm.s32 $0xFFFFFFFF;
	p2 =	slt.u32 s8, $0xFFFFF086  }
0x1c: {  	p1 =	slt.u32 s9, $0xF7A;
	s5 =	simm.s32 @!p2 $0x0  }
0x1d: {  	s5 =	simm.s32 @p1 $0x1;
	p0 =	seq.s32 s7, s2  }
0x1e: {  	s7 =	smul.u32 @!p0 $0xF7A, s2;
	p2 =	seq.s32 @!p0 s5, $0x0  }
0x1f: {  	s9 =	smul.u32 $0xF7A, s1;
	s8 =	simm.s32 @!p0 $0x1BF5;
	p2 =	por !p2, p0  }
0x20: {  	[sflag:s8] =	ssyncset.s32 @!p0 $0xFFFFF086;
	s6 =	sadd.s32 @!p0 s3, s7;
	s7 =	simm.s32 @!p0 $0x108  }
0x21: {  	s3 =	sadd.s32 s3, s9;
	s6 =	sadd.s32 @!p0 $0x88, s6;
	s7 =	simm.s32 @p2 $0x1082  }
0x22: {  	[simem:s7], [sflag:s8] =	dma.local @!p0 [hbm:s6], $0xF7A  }
0x23: {  	s9 =	sor.u32 $0xD0000000, s2;
	s6 =	simm.s32 $0x108;
	_ =	swait.ge @!p0 [sflag:s8], $0x0  }
0x24: {  	s3 =	sadd.s32 $0x88, s3;
	s6 =	simm.s32 @!p1 $0x1082;
	[sflag:s4] =	ssyncset.s32 $0xFFFFF086  }
0x25: {  	[simem:s6], [sflag:s4] =	dma.local [hbm:s3], $0xF7A  }
0x26: {  	[smem:$0x3F9D] =	sst s1;
	(tag) =	ssettag s2;
	_ =	strace s9  }
0x27: {  	s1 =	sld [smem:$0x3FAD]  }
0x28: {  	s2 =	sld [smem:$0x3FAE]  }
0x29: {  	s4 =	sld [smem:$0x3FB0]  }
0x2a: {  	p0 =	seq.s32 s5, $0x0;
	s5 =	sld [smem:$0x3FB1]  }
0x2b: {  	s6 =	sld [smem:$0x3FB2]  }
0x2c: {  	s7 =	sld [smem:$0x3FB3]  }
0x2d: {  	s3 =	simm.s32 $0x108;
	s8 =	sld [smem:$0x3FB4]  }
0x2e: {  	s3 =	simm.s32 @!p0 $0x1082;
	s9 =	sld [smem:$0x3FB5]  }
0x2f: {  	lr =	sadd.s32 s0, s3;
	s0 =	sld [smem:$0x3FAC]  }
0x30: {  	s3 =	sld [smem:$0x3FAF]  }
0x31: {  	[smem:$0x3FB8] =	sst s10  }
0x32: {  	s10 =	sld [smem:$0x3FB6];
	_ =	sdelay $0x3  }
0x33: {  	p0 =	seq.s32 s10, $0x1;
	s10 =	sld [smem:$0x3FB8];
	_ =	sdelay $0x3  }
0x34: {  	[smem:$0x3FB8] =	sst s10  }
0x35: {  	s10 =	sld [smem:$0x3FB7];
	_ =	sdelay $0x3  }
0x36: {  	p1 =	seq.s32 s10, $0x1;
	s10 =	sld [smem:$0x3FB8];
	_ =	sdelay $0x3  }
0x37: {  	[smem:$0x3FB8] =	sst s10  }
0x38: {  	s10 =	sld [smem:$0x3FB9]  }
0x39: {  	_ = 	snop;
	(pc) =	sbr.ind lr, $3  }
0x3a: {  	_ = 	snop  }
0x3b: {  	_ = 	snop  }
0x3c: {  	p2 =	seq.s32 s10, $0x1;
	s10 =	sld [smem:$0x3FB8]  }
0x3d: {  	_ =	shalt  }
0x3e: {  	_ =	shalt  }
0x3f: {  	_ =	shalt  }
0x40: {  	_ =	shalt  }
0x41: {  	_ =	shalt  }
0x42: {  	_ =	shalt  }
0x43: {  	_ =	shalt  }
0x44: {  	_ =	shalt  }
0x45: {  	_ =	shalt  }
0x46: {  	_ =	shalt  }
0x47: {  	_ =	shalt  }
0x48: {  	_ =	shalt  }
0x49: {  	_ =	shalt  }
0x4a: {  	_ =	shalt  }
0x4b: {  	_ =	shalt  }
0x4c: {  	_ =	shalt  }
0x4d: {  	_ =	shalt  }
0x4e: {  	_ =	shalt  }
0x4f: {  	_ =	shalt  }
0x50: {  	_ =	shalt  }
0x51: {  	_ =	shalt  }
0x52: {  	_ =	shalt  }
0x53: {  	_ =	shalt  }
0x54: {  	_ =	shalt  }
0x55: {  	_ =	shalt  }
0x56: {  	_ =	shalt  }
0x57: {  	_ =	shalt  }
0x58: {  	_ =	shalt  }
0x59: {  	_ =	shalt  }
0x5a: {  	_ =	shalt  }
0x5b: {  	_ =	shalt  }
0x5c: {  	_ =	shalt  }
0x5d: {  	_ =	shalt  }
0x5e: {  	_ =	shalt  }
0x5f: {  	_ =	shalt  }
0x60: {  	_ =	shalt  }
0x61: {  	_ =	shalt  }
0x62: {  	_ =	shalt  }
0x63: {  	_ =	shalt  }
0x64: {  	_ =	shalt  }
0x65: {  	_ =	shalt  }
0x66: {  	_ =	shalt  }
0x67: {  	_ =	shalt  }
0x68: {  	_ =	shalt  }
0x69: {  	_ =	shalt  }
0x6a: {  	_ =	shalt  }
0x6b: {  	_ =	shalt  }
0x6c: {  	_ =	shalt  }
0x6d: {  	_ =	shalt  }
0x6e: {  	_ =	shalt  }
0x6f: {  	_ =	shalt  }
0x70: {  	_ =	shalt  }
0x71: {  	_ =	shalt  }
0x72: {  	_ =	shalt  }
0x73: {  	_ =	shalt  }
0x74: {  	_ =	shalt  }
0x75: {  	_ =	shalt  }
0x76: {  	_ =	shalt  }
0x77: {  	_ =	shalt  }
0x78: {  	_ =	shalt  }
0x79: {  	_ =	shalt  }
0x7a: {  	_ =	shalt  }
0x7b: {  	_ =	shalt  }
0x7c: {  	_ =	shalt  }
0x7d: {  	_ =	shalt  }
0x7e: {  	_ =	shalt  }
0x7f: {  	_ =	shalt  }
0x80: {  	_ =	shalt  }
0x81: {  	_ =	shalt  }
0x82: {  	_ =	shalt  }
0x83: {  	_ =	shalt  }
0x84: {  	_ =	shalt  }
0x85: {  	_ =	shalt  }
0x86: {  	_ =	shalt  }
0x87: {  	_ =	shalt  }
.Lfunc_end0:
.L_simem_size_0:
called_computation_lowered:
.L_overlay_start_0:
0x88: {  	s2 =	sld [smem:$0x3FD9]  }
0x89: {  	s3 =	sld [smem:$0x3FFE];
	_ =	sdelay $0x1  }
0x8a: {  	s1 =	srdreg.scid  }
0x8b: {  	s0 =	sand.u32 $0x1, s1  }
0x8c: {  	s17 =	sshll.u32 s0, $0xA;
	s2 =	sadd.s32 s3, s2  }
0x8d: {  	s2 =	sadd.s32 s2, s17  }
0x8e: {  	[smem:$0x3FC4] =	sst s2  }
0x8f: {  	_ = 	snop  }
0x90: {  	s2 =	sld [smem:$0x3FC7];
	(tm) =	ssettm $0x1  }
0x91: {  	s18 =	sld [smem:$0x3FFB];
	_ =	sdelay $0x3  }
0x92: {  	_ =	strace s18  }
0x93: {  	s3 =	sld [smem:$0x3FFC];
	_ =	sdelay $0x3  }
0x94: {  	_ =	strace s3  }
0x95: {  	s3 =	sld [smem:$0x3FFD];
	_ =	sdelay $0x3  }
0x96: {  	_ =	strace s3  }
0x97: {  	_ =	strace $0x8FFFFFFF  }
0x98: {  	s19 =	sld [smem:$0x3FDB];
	_ =	sdelay $0x1  }
0x99: {  	s4 =	simm.s32 $_scs_section_size  }
0x9a: {  	s5 =	simm.s32 $_size__tile_overlayer_lowered;
	s6 =	simm.s32 $_tile_overlayer_lowered  }
0x9b: {  	s22 =	simm.s32 $0x1BFF;
	s21 =	sshll.u32 s6, $0x1;
	s3 =	sadd.s32 s4, s19  }
0x9c: {  	s7 =	simm.s32 $0x0;
	s20 =	sshll.u32 s5, $0x1;
	s5 =	sadd.s32 s21, s3  }
0x9d: {  	[timem:s7], [sflag:s22] =	dma.local [hbm:s5], s20  }
0x9e: {  	_ =	swait.ge [sflag:s22], s20  }
0x9f: {  	s4 =	ssub.s32 $0x0, s20;
	[sflag:s22] =	ssyncset.done $0x0  }
0xa0: {  	[sflag:s22] =	ssyncadd.s32 s4;
	_ =	sdelay $0x1  }
0xa1: {  	s23 =	simm.s32 $0x1B8B  }
0xa2: {  	_ =	swait.ge [sflag:s23], $0x1  }
0xa3: {  	[sflag:s23] =	ssyncset.done $0x0  }
0xa4: {  	s25 =	simm.s32 $0x1B8E;
	s24 =	sld [smem:$0x3FFE];
	[sflag:s23] =	ssyncadd.s32 $0xFFFFFFFF  }
0xa5: {  	s26 =	simm.s32 $execute0_lowered;
	[smem:$0x3FD2] =	sst s25  }
0xa6: {  	s5 =	sshll.u32 s26, $0x1;
	_ =	strace $0x80000046;
	[dreg:$0x1] =	wrdreg $0xFFFFFFFF  }
0xa7: {  	s28 =	simm.s32 $_size_execute0_lowered;
	s3 =	sadd.s32 s3, s5;
	[dreg:$0x0] =	wrdreg $0x0  }
0xa8: {  	s5 =	sshll.u32 s28, $0x1;
	[dreg:$0x2] =	wrdreg s3  }
0xa9: {  	[dreg:$0x3] =	wrdreg s5  }
0xaa: {  	[dreg:$0x4] =	wrdreg $0xC0  }
0xab: {  	_ =	task [dreg:s7], $0x5FFFF  }
0xac: {  	[dreg:$0x1] =	wrdreg $0xFFFFFFFF  }
0xad: {  	[dreg:$0x0] =	wrdreg $0x60  }
0xae: {  	[dreg:$0x2] =	wrdreg s24  }
0xaf: {  	[dreg:$0x3] =	wrdreg s2  }
0xb0: {  	[dreg:$0x4] =	wrdreg $0x9  }
0xb1: {  	_ =	task.clear_ibuf [dreg:s7], $0x5FFFF;
	_ =	strace $0x90000046  }
0xb2: {  	s29 =	simm.s32 $0x9;
	_ =	strace $0x80000048  }
0xb3: {  	_ =	swait.ge [sflag:s29], $0x1  }
0xb4: {  	[sflag:s29] =	ssyncadd.s32 $0xFFFFFFFF  }
0xb5: {  	_ =	strace $0x90000048  }
0xb6: {  	_ =	sfence  }
0xb7: {  	s30 =	sld [smem:$0x0];
	_ =	sdelay $0x2  }
0xb8: {  	s31 =	sshll.u32 s1, $0xD;
	s1 =	sshrl.u32 s1, $0x2  }
0xb9: {  	s3 =	sand.u32 $0x4000, s31;
	s1 =	sadd.s32 s1, s30  }
0xba: {  	s0 =	sor.u32 s3, s0;
	s1 =	sshll.u32 s1, $0x11  }
0xbb: {  	s0 =	sor.u32 s1, s0  }
0xbc: {  	s0 =	sadd.s32 $0x8F2B, s0  }
0xbd: {  	[sflag:s0] =	ssyncadd.remote.s32 $0x1  }
0xbe: {  	_ =	sfence.sel $0xFFFF  }
0xbf: {  	[dreg:$0x0] =	wrdreg $0xFFFFFFFF;
	(pc) =	sbr.abs _section_cstart, $3  }
0xc0: {  	[dreg:$0x1] =	wrdreg $0xFFFFFFFF  }
0xc1: {  	_ =	task.clear_ibuf [dreg:s7], $0x2FFFF;
	_ =	strace $0x9FFFFFFF  }
0xc2: {  	(tm) =	ssettm $0x7FFFFFFF  }
0xc3: {  	_ =	shalt  }
tec
execute0_lowered:
.L_overlay_start_1:
0x0: {  	(tag) =	ssettag $0x1  }
0x1: {  	s7 =	rddreg [dreg:$0x0]  }
0x2: {  	s0 =	srdreg.scid;
	s6 =	rddreg [dreg:$0x1]  }
0x3: {  	s1 =	stileid.u32;
	s2 =	simm.s32 $0x0;
	s13 =	simm.s32 $0x18F00  }
0x4: {  	s14 =	simm.s32 $0x1;
	s15 =	simm.s32 $0xA000;
	s16 =	simm.s32 $0x80  }
0x5: {  	s17 =	simm.s32 $0x400;
	s4 =	sand.u32 $0x1, s0;
	s0 =	rddreg [dreg:$0x2]  }
0x6: {  	s18 =	simm.s32 $0x2;
	s19 =	simm.s32 $0x0;
	[smem:$0x7FF] =	sst s2  }
0x7: {  	s10 =	sshll.u32 s1, $0x7;
	s11 =	sadd.s32 $0x17400, s7;
	s3 =	sshll.u32 s4, $0x4  }
0x8: {  	_ =	strace $0x80000047;
	s4 =	ssub.s32 $0x2, s4;
	s5 =	sor.u32 s1, s3  }
0x9: {  	s10 =	sand.u32 $0x380, s10;
	s8 =	smul.u32 $0x4E2, s5;
	s5 =	sshrl.u32 s5, $0x3  }
0xa: {  	s3 =	sadd.s32 $0x14C00, s7;
	s12 =	sshrl.u32 s4, $0x1;
	s5 =	smul.u32 $0xA0000, s5  }
0xb: {  	s12 =	ssub.s32 s4, s12;
	s9 =	sadd.s32 s8, s7;
	s6 =	sadd.s32 s6, s8  }
0xc: {  	s7 =	sadd.s32 $0x16000, s7;
	s4 =	sadd.s32 $0x1000, s9;
	s10 =	sor.u32 s10, s5  }
0xd: {  	s5 =	sadd.s32 $0xAE00, s9;
	s29 =	sadd.s32 $0x50000, s10;
	s30 =	sshrl.u32 s10, $0x3  }
0xe: {  	s10 =	smax.u32 s12, $0x1;
	s12 =	simm.s32 $0x16780;
	s31 =	sshrl.u32 s29, $0x3  }
0xf: {  	v0 =	vimm.f32 $0.0e+00;
	s8 =	sadd.s32 s11, s30;
	s9 =	sadd.s32 s11, s31;
	s11 =	simm.s32 $0x14000  }
.LBB2_1:
0x10: {  	[tilespmem:s11], [sflag:$0x1] =	stream.linear.gather [hbm4b:s4+s2], $0x2710, $0x38;
	[tilespmem:$0x1B680] =	vst v63  }
0x11: {  	_ = 	snop  }
0x12: {  	[tilespmem:s12], [sflag:$0x1] =	stream.linear.gather [hbm4b:s5+s2], $0x2710, $0x38;
	[tilespmem:$0x1B680] =	vst v63  }
0x13: {  	_ = 	snop  }
0x14: {  	[tilespmem:s13], [sflag:$0x1] =	stream.linear.gather [hbm4b:s6+s2], $0x2710, $0x38;
	[tilespmem:$0x1B680] =	vst v63  }
0x15: {  	s20 =	simm.s32 $0xA040  }
0x16: {  	[tilespmem:s2], [sflag:$0x1] =	stream.linear.gather [hbm4b:s3+s2], $0xA000, $0x38;
	[tilespmem:$0x1B680] =	vst v63  }
0x17: {  	[tilespmem:s20+$0xFFFFFFC0] =	vst v0  }
0x18: {  	[tilespmem:s20+$0x30] =	vst v0  }
0x19: {  	[tilespmem:s20+$0x20] =	vst v0  }
0x1a: {  	[tilespmem:s20+$0x10] =	vst v0  }
0x1b: {  	[tilespmem:s20+$0x0] =	vst v0  }
0x1c: {  	[tilespmem:s20+$0xFFFFFFF0] =	vst v0  }
0x1d: {  	s21 =	simm.s32 $0x0;
	[tilespmem:s20+$0xFFFFFFE0] =	vst v0  }
.LBB2_2:
0x1e: {  	s21 =	sadd.s32 $0x80, s21;
	[tilespmem:s20+$0xFFFFFFD0] =	vst v0;
	s20 =	sadd.s32 $0x80, s20  }
0x1f: {  	[tilespmem:s20+$0xFFFFFFC0] =	vst v0;
	p0 =	slt.u32 s21, $0x9F80  }
0x20: {  	[tilespmem:s20+$0x30] =	vst v0  }
.Ltmp0:
0x21: {  	[tilespmem:s20+$0x20] =	vst v0;
	(pc) =	sbr.rel @p0 .LBB2_2-.Ltmp0, $4  }
0x22: {  	[tilespmem:s20+$0x10] =	vst v0  }
0x23: {  	[tilespmem:s20+$0x0] =	vst v0  }
0x24: {  	[tilespmem:s20+$0xFFFFFFF0] =	vst v0  }
0x25: {  	[tilespmem:s20+$0xFFFFFFE0] =	vst v0  }
0x26: {  	[tilespmem:s20+$0xFFFFFFD0] =	vst v0  }
0x27: {  	_ =	swait.ge [sflag:s14], $0x2710  }
0x28: {  	[sflag:s14] =	ssyncset.done $0x0  }
0x29: {  	[sflag:s14] =	ssyncadd.s32 $0xFFFFD8F0  }
0x2a: {  	_ =	swait.ge [sflag:s14], $0x2710  }
0x2b: {  	[sflag:s14] =	ssyncset.done $0x0  }
0x2c: {  	[sflag:s14] =	ssyncadd.s32 $0xFFFFD8F0  }
0x2d: {  	_ =	swait.ge [sflag:s14], $0x2710  }
0x2e: {  	[sflag:s14] =	ssyncset.done $0x0  }
0x2f: {  	[sflag:s14] =	ssyncadd.s32 $0xFFFFD8F0  }
0x30: {  	_ =	swait.ge [sflag:s14], $0xA000  }
0x31: {  	[sflag:s14] =	ssyncset.done $0x0  }
0x32: {  	s22 =	simm.s32 $0x14040;
	[sflag:s14] =	ssyncadd.s32 $0xFFFF6000  }
0x33: {  	v11 =	vld [tilespmem:s22+$0x30]  }
0x34: {  	v9 =	vld [tilespmem:s22+$0xFFFFFFD0]  }
0x35: {  	v8 =	vld [tilespmem:s22+$0xFFFFFFE0]  }
0x36: {  	v5 =	vld [tilespmem:s22+$0xFFFFFFF0]  }
0x37: {  	v4 =	vld [tilespmem:s22+$0x0]  }
0x38: {  	v2 =	vld [tilespmem:s22+$0x10]  }
0x39: {  	s20 =	simm.s32 $0x167C0;
	v3 =	vld [tilespmem:s22+$0x20]  }
0x3a: {  	s21 =	simm.s32 $0x18F40;
	v12 =	vld [tilespmem:s20+$0x30]  }
0x3b: {  	v13 =	vld [tilespmem:s21+$0x30]  }
0x3c: {  	v14 =	vld [tilespmem:s22+$0xFFFFFFC0]  }
0x3d: {  	v22 =	vld [tilespmem:s21+$0xFFFFFFC0]  }
0x3e: {  	v23 =	vld [tilespmem:s21+$0xFFFFFFD0]  }
0x3f: {  	v25 =	vld [tilespmem:s21+$0xFFFFFFE0]  }
0x40: {  	v10 =	vld [tilespmem:s21+$0xFFFFFFF0]  }
0x41: {  	v1 =	vld.idx.msk [tilespmem:v11+s2+$0x0], $0xffff  }
0x42: {  	v26 =	vld [tilespmem:s20+$0xFFFFFFC0]  }
0x43: {  	v28 =	vld [tilespmem:s20+$0xFFFFFFD0]  }
0x44: {  	v29 =	vld [tilespmem:s20+$0xFFFFFFE0];
	v6 =	vadd.s32 $0x2800, v11  }
0x45: {  	v30 =	vld [tilespmem:s20+$0xFFFFFFF0]  }
0x46: {  	v31 =	vld [tilespmem:s20+$0x0];
	v1 =	vmul.f32 v1, v13  }
0x47: {  	v40 =	vld [tilespmem:s20+$0x10]  }
0x48: {  	[tilespmem:v12+s15+$0x0] =	vst.idx.add.f32.msk $0xffff, v1  }
0x49: {  	v1 =	vld.idx.msk [tilespmem:v6+s2+$0x0], $0xffff  }
0x4a: {  	v41 =	vld [tilespmem:s20+$0x20]  }
0x4b: {  	v7 =	vadd.s32 $0x2800, v12;
	v15 =	vld.idx.msk [tilespmem:v9+s2+$0x0], $0xffff  }
0x4c: {  	v24 =	vadd.s32 $0x5000, v11;
	v16 =	vld.idx.msk [tilespmem:v8+s2+$0x0], $0xffff  }
0x4d: {  	v20 =	vld.idx.msk [tilespmem:v14+s2+$0x0], $0xffff  }
0x4e: {  	v18 =	vld.idx.msk [tilespmem:v4+s2+$0x0], $0xffff;
	v1 =	vmul.f32 v1, v13  }
0x4f: {  	v6 =	vld [tilespmem:s21+$0x0]  }
0x50: {  	[tilespmem:v7+s15+$0x0] =	vst.idx.add.f32.msk $0xffff, v1  }
0x51: {  	v24 =	vld.idx.msk [tilespmem:v24+s2+$0x0], $0xffff  }
0x52: {  	v17 =	vld.idx.msk [tilespmem:v5+s2+$0x0], $0xffff;
	v20 =	vmul.f32 v20, v22  }
0x53: {  	v27 =	vadd.s32 $0x5000, v12;
	v19 =	vld.idx.msk [tilespmem:v2+s2+$0x0], $0xffff;
	v15 =	vmul.f32 v15, v23  }
0x54: {  	v11 =	vadd.s32 $0x7800, v11;
	v16 =	vmul.f32 v16, v25;
	[tilespmem:v26+s15+$0x0] =	vst.idx.add.f32.msk $0xffff, v20  }
0x55: {  	v42 =	vadd.s32 $0x2800, v14;
	[tilespmem:v28+s15+$0x0] =	vst.idx.add.f32.msk $0xffff, v15;
	v15 =	vmul.f32 v18, v6  }
0x56: {  	[tilespmem:v29+s15+$0x0] =	vst.idx.add.f32.msk $0xffff, v16;
	v24 =	vmul.f32 v24, v13  }
0x57: {  	[tilespmem:v31+s15+$0x0] =	vst.idx.add.f32.msk $0xffff, v15  }
0x58: {  	v15 =	vadd.s32 $0x2800, v8;
	[tilespmem:v27+s15+$0x0] =	vst.idx.add.f32.msk $0xffff, v24  }
0x59: {  	v11 =	vld.idx.msk [tilespmem:v11+s2+$0x0], $0xffff  }
0x5a: {  	v16 =	vld.idx.msk [tilespmem:v42+s2+$0x0], $0xffff  }
0x5b: {  	v12 =	vadd.s32 $0x7800, v12;
	v7 =	vld [tilespmem:s21+$0x10]  }
0x5c: {  	v47 =	vadd.s32 $0x2800, v26;
	v21 =	vld.idx.msk [tilespmem:v3+s2+$0x0], $0xffff;
	v17 =	vmul.f32 v17, v10  }
0x5d: {  	v15 =	vld.idx.msk [tilespmem:v15+s2+$0x0], $0xffff  }
0x5e: {  	[tilespmem:v30+s15+$0x0] =	vst.idx.add.f32.msk $0xffff, v17;
	v11 =	vmul.f32 v11, v13;
	v13 =	vadd.s32 $0x2800, v9  }
0x5f: {  	v49 =	vadd.s32 $0x2800, v29;
	v16 =	vmul.f32 v16, v22;
	v1 =	vld [tilespmem:s21+$0x20]  }
0x60: {  	v43 =	vmul.f32 v19, v7;
	[tilespmem:v12+s15+$0x0] =	vst.idx.add.f32.msk $0xffff, v11;
	v11 =	vadd.s32 $0x2800, v5  }
0x61: {  	[tilespmem:v47+s15+$0x0] =	vst.idx.add.f32.msk $0xffff, v16;
	v12 =	vadd.s32 $0x2800, v4  }
0x62: {  	[tilespmem:v40+s15+$0x0] =	vst.idx.add.f32.msk $0xffff, v43;
	v15 =	vmul.f32 v15, v25  }
0x63: {  	v45 =	vadd.s32 $0x2800, v2;
	v13 =	vld.idx.msk [tilespmem:v13+s2+$0x0], $0xffff  }
0x64: {  	v46 =	vadd.s32 $0x2800, v3;
	[tilespmem:v49+s15+$0x0] =	vst.idx.add.f32.msk $0xffff, v15  }
0x65: {  	v48 =	vadd.s32 $0x2800, v28;
	v44 =	vmul.f32 v21, v1;
	v11 =	vld.idx.msk [tilespmem:v11+s2+$0x0], $0xffff  }
0x66: {  	v15 =	vadd.s32 $0x5000, v9;
	v12 =	vld.idx.msk [tilespmem:v12+s2+$0x0], $0xffff  }
0x67: {  	v32 =	vadd.s32 $0x2800, v30;
	[tilespmem:v41+s15+$0x0] =	vst.idx.add.f32.msk $0xffff, v44  }
0x68: {  	v33 =	vadd.s32 $0x2800, v31;
	v17 =	vld.idx.msk [tilespmem:v45+s2+$0x0], $0xffff;
	v13 =	vmul.f32 v13, v23  }
0x69: {  	v51 =	vadd.s32 $0x5000, v8;
	v18 =	vld.idx.msk [tilespmem:v46+s2+$0x0], $0xffff  }
0x6a: {  	v52 =	vadd.s32 $0x5000, v5;
	[tilespmem:v48+s15+$0x0] =	vst.idx.add.f32.msk $0xffff, v13;
	v11 =	vmul.f32 v11, v10  }
0x6b: {  	v34 =	vadd.s32 $0x2800, v40;
	v12 =	vmul.f32 v12, v6;
	v15 =	vld.idx.msk [tilespmem:v15+s2+$0x0], $0xffff  }
0x6c: {  	v50 =	vadd.s32 $0x2800, v41;
	[tilespmem:v32+s15+$0x0] =	vst.idx.add.f32.msk $0xffff, v11  }
0x6d: {  	v13 =	vadd.s32 $0x5000, v14;
	[tilespmem:v33+s15+$0x0] =	vst.idx.add.f32.msk $0xffff, v12  }
0x6e: {  	v53 =	vadd.s32 $0x5000, v3;
	v11 =	vmul.f32 v17, v7;
	v17 =	vld.idx.msk [tilespmem:v51+s2+$0x0], $0xffff  }
0x6f: {  	v55 =	vadd.s32 $0x5000, v28;
	v12 =	vmul.f32 v18, v1;
	v18 =	vld.idx.msk [tilespmem:v52+s2+$0x0], $0xffff  }
0x70: {  	[tilespmem:v34+s15+$0x0] =	vst.idx.add.f32.msk $0xffff, v11;
	v11 =	vadd.s32 $0x5000, v4  }
0x71: {  	[tilespmem:v50+s15+$0x0] =	vst.idx.add.f32.msk $0xffff, v12;
	v12 =	vadd.s32 $0x5000, v2  }
0x72: {  	v9 =	vadd.s32 $0x7800, v9;
	v13 =	vld.idx.msk [tilespmem:v13+s2+$0x0], $0xffff;
	v15 =	vmul.f32 v15, v23  }
0x73: {  	v57 =	vadd.s32 $0x5000, v30;
	v16 =	vld.idx.msk [tilespmem:v53+s2+$0x0], $0xffff  }
0x74: {  	v54 =	vadd.s32 $0x5000, v26;
	[tilespmem:v55+s15+$0x0] =	vst.idx.add.f32.msk $0xffff, v15  }
0x75: {  	v5 =	vadd.s32 $0x7800, v5;
	v11 =	vld.idx.msk [tilespmem:v11+s2+$0x0], $0xffff  }
0x76: {  	v56 =	vadd.s32 $0x5000, v29;
	v15 =	vmul.f32 v18, v10;
	v12 =	vld.idx.msk [tilespmem:v12+s2+$0x0], $0xffff  }
0x77: {  	v8 =	vadd.s32 $0x7800, v8;
	v9 =	vld.idx.msk [tilespmem:v9+s2+$0x0], $0xffff;
	v13 =	vmul.f32 v13, v22  }
0x78: {  	v58 =	vadd.s32 $0x5000, v31;
	[tilespmem:v57+s15+$0x0] =	vst.idx.add.f32.msk $0xffff, v15  }
0x79: {  	v59 =	vadd.s32 $0x5000, v40;
	[tilespmem:v54+s15+$0x0] =	vst.idx.add.f32.msk $0xffff, v13;
	v13 =	vmul.f32 v17, v25  }
0x7a: {  	v60 =	vadd.s32 $0x5000, v41;
	v5 =	vld.idx.msk [tilespmem:v5+s2+$0x0], $0xffff  }
0x7b: {  	v14 =	vadd.s32 $0x7800, v14;
	[tilespmem:v56+s15+$0x0] =	vst.idx.add.f32.msk $0xffff, v13;
	v11 =	vmul.f32 v11, v6  }
0x7c: {  	v4 =	vadd.s32 $0x7800, v4;
	v12 =	vmul.f32 v12, v7;
	v13 =	vld.idx.msk [tilespmem:v8+s2+$0x0], $0xffff  }
0x7d: {  	v2 =	vadd.s32 $0x7800, v2;
	[tilespmem:v58+s15+$0x0] =	vst.idx.add.f32.msk $0xffff, v11;
	v11 =	vmul.f32 v16, v1  }
0x7e: {  	v3 =	vadd.s32 $0x7800, v3;
	[tilespmem:v59+s15+$0x0] =	vst.idx.add.f32.msk $0xffff, v12  }
0x7f: {  	v62 =	vadd.s32 $0x7800, v30;
	[tilespmem:v60+s15+$0x0] =	vst.idx.add.f32.msk $0xffff, v11  }
0x80: {  	v15 =	vadd.s32 $0x7800, v29;
	v11 =	vld.idx.msk [tilespmem:v14+s2+$0x0], $0xffff  }
0x81: {  	v61 =	vld.idx.msk [tilespmem:v4+s2+$0x0], $0xffff;
	v14 =	vadd.s32 $0x7800, v28  }
0x82: {  	v12 =	vadd.s32 $0x7800, v26;
	v5 =	vmul.f32 v5, v10;
	v63 =	vld.idx.msk [tilespmem:v2+s2+$0x0], $0xffff  }
0x83: {  	v8 =	vld.idx.msk [tilespmem:v3+s2+$0x0], $0xffff;
	v4 =	vmul.f32 v13, v25  }
0x84: {  	[tilespmem:v62+s15+$0x0] =	vst.idx.add.f32.msk $0xffff, v5;
	v3 =	vmul.f32 v9, v23  }
0x85: {  	[tilespmem:v15+s15+$0x0] =	vst.idx.add.f32.msk $0xffff, v4;
	v2 =	vmul.f32 v11, v22  }
0x86: {  	v4 =	vadd.s32 $0x7800, v41;
	v13 =	vmul.f32 v61, v6;
	[tilespmem:v14+s15+$0x0] =	vst.idx.add.f32.msk $0xffff, v3  }
0x87: {  	s23 =	simm.s32 $0x140C0;
	s22 =	simm.s32 $0x0;
	v6 =	vmul.f32 v63, v7;
	v3 =	vadd.s32 $0x7800, v40;
	[tilespmem:v12+s15+$0x0] =	vst.idx.add.f32.msk $0xffff, v2;
	v2 =	vadd.s32 $0x7800, v31  }
.LBB2_4:
0x88: {  	v28 =	vld [tilespmem:s23+$0x30];
	s22 =	sadd.s32 $0x80, s22;
	v5 =	vmul.f32 v8, v1  }
0x89: {  	v1 =	vld [tilespmem:s23+$0xFFFFFFD0];
	p0 =	slt.u32 s22, $0x2680  }
0x8a: {  	v15 =	vld [tilespmem:s23+$0xFFFFFFE0]  }
0x8b: {  	v16 =	vld [tilespmem:s23+$0xFFFFFFF0]  }
0x8c: {  	v17 =	vld [tilespmem:s23+$0x0]  }
0x8d: {  	v18 =	vld [tilespmem:s23+$0x10]  }
0x8e: {  	s20 =	sadd.s32 $0x80, s20;
	v27 =	vadd.s32 $0x2800, v1;
	v14 =	vadd.s32 $0x5000, v1;
	v7 =	vadd.s32 $0x7800, v1;
	v19 =	vld [tilespmem:s23+$0x20]  }
0x8f: {  	v29 =	vadd.s32 $0x2800, v15;
	v20 =	vadd.s32 $0x5000, v15;
	v8 =	vadd.s32 $0x7800, v15;
	v36 =	vld [tilespmem:s20+$0x30]  }
0x90: {  	s21 =	sadd.s32 $0x80, s21;
	v33 =	vadd.s32 $0x2800, v16;
	v22 =	vadd.s32 $0x5000, v16;
	v9 =	vadd.s32 $0x7800, v16;
	v21 =	vld.idx.msk [tilespmem:v28+s2+$0x0], $0xffff  }
0x91: {  	v35 =	vadd.s32 $0x2800, v17;
	v24 =	vadd.s32 $0x5000, v17;
	v10 =	vadd.s32 $0x7800, v17;
	v37 =	vld [tilespmem:s21+$0x30]  }
0x92: {  	v23 =	vld [tilespmem:s23+$0xFFFFFFC0];
	v38 =	vadd.s32 $0x2800, v18;
	v25 =	vadd.s32 $0x5000, v18;
	v11 =	vadd.s32 $0x7800, v18  }
0x93: {  	v1 =	vld.idx.msk [tilespmem:v1+s2+$0x0], $0xffff;
	v39 =	vadd.s32 $0x2800, v19;
	v26 =	vadd.s32 $0x5000, v19;
	v12 =	vadd.s32 $0x7800, v19  }
0x94: {  	v31 =	vld.idx.msk [tilespmem:v15+s2+$0x0], $0xffff;
	v15 =	vadd.s32 $0x2800, v28  }
0x95: {  	v32 =	vld.idx.msk [tilespmem:v16+s2+$0x0], $0xffff  }
0x96: {  	v34 =	vld.idx.msk [tilespmem:v17+s2+$0x0], $0xffff;
	v16 =	vmul.f32 v21, v37  }
0x97: {  	v40 =	vadd.s32 $0x2800, v23;
	v30 =	vadd.s32 $0x5000, v23;
	v21 =	vadd.s32 $0x7800, v23;
	v41 =	vld.idx.msk [tilespmem:v18+s2+$0x0], $0xffff  }
0x98: {  	[tilespmem:v36+s15+$0x0] =	vst.idx.add.f32.msk $0xffff, v16  }
0x99: {  	v16 =	vld.idx.msk [tilespmem:v15+s2+$0x0], $0xffff  }
0x9a: {  	v23 =	vld.idx.msk [tilespmem:v23+s2+$0x0], $0xffff  }
0x9b: {  	v42 =	vld.idx.msk [tilespmem:v19+s2+$0x0], $0xffff  }
0x9c: {  	v43 =	vadd.s32 $0x2800, v36;
	v18 =	vld [tilespmem:s21+$0xFFFFFFC0]  }
0x9d: {  	v44 =	vadd.s32 $0x5000, v28;
	v19 =	vld [tilespmem:s21+$0xFFFFFFD0]  }
0x9e: {  	v17 =	vld [tilespmem:s21+$0xFFFFFFE0]  }
0x9f: {  	v45 =	vmul.f32 v16, v37;
	v15 =	vld [tilespmem:s21+$0xFFFFFFF0]  }
0xa0: {  	v16 =	vld [tilespmem:s21+$0x0]  }
0xa1: {  	v46 =	vmul.f32 v23, v18;
	[tilespmem:v43+s15+$0x0] =	vst.idx.add.f32.msk $0xffff, v45  }
0xa2: {  	v43 =	vmul.f32 v1, v19;
	v44 =	vld.idx.msk [tilespmem:v44+s2+$0x0], $0xffff  }
0xa3: {  	v45 =	vmul.f32 v31, v17;
	v23 =	vld [tilespmem:s21+$0x10]  }
0xa4: {  	v47 =	vmul.f32 v32, v15;
	v1 =	vld [tilespmem:s21+$0x20]  }
0xa5: {  	v31 =	vadd.s32 $0x5000, v36;
	v48 =	vld [tilespmem:s20+$0xFFFFFFC0];
	v49 =	vmul.f32 v34, v16  }
0xa6: {  	v32 =	vadd.s32 $0x7800, v28;
	v50 =	vld [tilespmem:s20+$0xFFFFFFD0]  }
0xa7: {  	v51 =	vld [tilespmem:s20+$0xFFFFFFE0]  }
0xa8: {  	v34 =	vmul.f32 v44, v37;
	v52 =	vld [tilespmem:s20+$0xFFFFFFF0];
	v41 =	vmul.f32 v41, v23  }
0xa9: {  	v44 =	vld [tilespmem:s20+$0x0];
	v42 =	vmul.f32 v42, v1  }
0xaa: {  	v53 =	vadd.s32 $0x2800, v48;
	v54 =	vadd.s32 $0x5000, v48;
	v28 =	vadd.s32 $0x7800, v48;
	[tilespmem:v31+s15+$0x0] =	vst.idx.add.f32.msk $0xffff, v34  }
0xab: {  	v55 =	vadd.s32 $0x2800, v50;
	v56 =	vadd.s32 $0x5000, v50;
	v31 =	vadd.s32 $0x7800, v50;
	v57 =	vld.idx.msk [tilespmem:v32+s2+$0x0], $0xffff  }
0xac: {  	v58 =	vadd.s32 $0x2800, v51;
	v59 =	vadd.s32 $0x5000, v51;
	v32 =	vadd.s32 $0x7800, v51;
	v60 =	vld [tilespmem:s20+$0x10]  }
0xad: {  	v61 =	vadd.s32 $0x2800, v52;
	v62 =	vadd.s32 $0x5000, v52;
	v34 =	vadd.s32 $0x7800, v52;
	v63 =	vld [tilespmem:s20+$0x20]  }
0xae: {  	v36 =	vadd.s32 $0x7800, v36;
	[tilespmem:v48+s15+$0x0] =	vst.idx.add.f32.msk $0xffff, v46;
	v46 =	vadd.s32 $0x2800, v44;
	v48 =	vadd.s32 $0x5000, v44  }
0xaf: {  	[tilespmem:v50+s15+$0x0] =	vst.idx.add.f32.msk $0xffff, v43;
	v43 =	vadd.s32 $0x7800, v44  }
0xb0: {  	[tilespmem:v51+s15+$0x0] =	vst.idx.add.f32.msk $0xffff, v45  }
0xb1: {  	v37 =	vmul.f32 v57, v37;
	[tilespmem:v52+s15+$0x0] =	vst.idx.add.f32.msk $0xffff, v47;
	v45 =	vadd.s32 $0x2800, v60;
	v47 =	vadd.s32 $0x5000, v60  }
0xb2: {  	[tilespmem:v44+s15+$0x0] =	vst.idx.add.f32.msk $0xffff, v49;
	v44 =	vadd.s32 $0x7800, v60;
	v49 =	vadd.s32 $0x2800, v63;
	v50 =	vadd.s32 $0x5000, v63  }
0xb3: {  	v51 =	vadd.s32 $0x7800, v63;
	[tilespmem:v36+s15+$0x0] =	vst.idx.add.f32.msk $0xffff, v37  }
0xb4: {  	[tilespmem:v60+s15+$0x0] =	vst.idx.add.f32.msk $0xffff, v41  }
0xb5: {  	[tilespmem:v63+s15+$0x0] =	vst.idx.add.f32.msk $0xffff, v42  }
0xb6: {  	v36 =	vld.idx.msk [tilespmem:v40+s2+$0x0], $0xffff  }
0xb7: {  	v27 =	vld.idx.msk [tilespmem:v27+s2+$0x0], $0xffff  }
0xb8: {  	v29 =	vld.idx.msk [tilespmem:v29+s2+$0x0], $0xffff  }
0xb9: {  	v33 =	vld.idx.msk [tilespmem:v33+s2+$0x0], $0xffff  }
0xba: {  	v35 =	vld.idx.msk [tilespmem:v35+s2+$0x0], $0xffff  }
0xbb: {  	v37 =	vld.idx.msk [tilespmem:v38+s2+$0x0], $0xffff  }
0xbc: {  	v36 =	vmul.f32 v36, v18;
	v38 =	vld.idx.msk [tilespmem:v39+s2+$0x0], $0xffff  }
0xbd: {  	v27 =	vmul.f32 v27, v19;
	[tilespmem:v2+s15+$0x0] =	vst.idx.add.f32.msk $0xffff, v13;
	v2 =	vmov v43  }
0xbe: {  	v13 =	vmul.f32 v29, v17;
	[tilespmem:v53+s15+$0x0] =	vst.idx.add.f32.msk $0xffff, v36  }
0xbf: {  	[tilespmem:v55+s15+$0x0] =	vst.idx.add.f32.msk $0xffff, v27;
	v27 =	vmul.f32 v33, v15  }
0xc0: {  	[tilespmem:v58+s15+$0x0] =	vst.idx.add.f32.msk $0xffff, v13;
	v13 =	vmul.f32 v35, v16  }
0xc1: {  	[tilespmem:v61+s15+$0x0] =	vst.idx.add.f32.msk $0xffff, v27;
	v27 =	vmul.f32 v37, v23  }
0xc2: {  	[tilespmem:v46+s15+$0x0] =	vst.idx.add.f32.msk $0xffff, v13;
	v13 =	vmul.f32 v38, v1  }
0xc3: {  	[tilespmem:v45+s15+$0x0] =	vst.idx.add.f32.msk $0xffff, v27  }
0xc4: {  	[tilespmem:v49+s15+$0x0] =	vst.idx.add.f32.msk $0xffff, v13  }
0xc5: {  	v13 =	vld.idx.msk [tilespmem:v30+s2+$0x0], $0xffff  }
0xc6: {  	v14 =	vld.idx.msk [tilespmem:v14+s2+$0x0], $0xffff  }
0xc7: {  	v20 =	vld.idx.msk [tilespmem:v20+s2+$0x0], $0xffff  }
0xc8: {  	v22 =	vld.idx.msk [tilespmem:v22+s2+$0x0], $0xffff  }
0xc9: {  	v24 =	vld.idx.msk [tilespmem:v24+s2+$0x0], $0xffff  }
0xca: {  	v25 =	vld.idx.msk [tilespmem:v25+s2+$0x0], $0xffff  }
0xcb: {  	v13 =	vmul.f32 v13, v18;
	v26 =	vld.idx.msk [tilespmem:v26+s2+$0x0], $0xffff  }
0xcc: {  	v14 =	vmul.f32 v14, v19;
	[tilespmem:v3+s15+$0x0] =	vst.idx.add.f32.msk $0xffff, v6;
	v3 =	vmov v44  }
0xcd: {  	v6 =	vmul.f32 v20, v17;
	[tilespmem:v54+s15+$0x0] =	vst.idx.add.f32.msk $0xffff, v13  }
0xce: {  	v13 =	vmul.f32 v22, v15;
	[tilespmem:v56+s15+$0x0] =	vst.idx.add.f32.msk $0xffff, v14  }
0xcf: {  	[tilespmem:v59+s15+$0x0] =	vst.idx.add.f32.msk $0xffff, v6;
	v6 =	vmul.f32 v24, v16  }
0xd0: {  	[tilespmem:v62+s15+$0x0] =	vst.idx.add.f32.msk $0xffff, v13;
	v13 =	vmul.f32 v25, v23  }
0xd1: {  	[tilespmem:v48+s15+$0x0] =	vst.idx.add.f32.msk $0xffff, v6;
	v6 =	vmul.f32 v26, v1  }
0xd2: {  	[tilespmem:v47+s15+$0x0] =	vst.idx.add.f32.msk $0xffff, v13  }
0xd3: {  	[tilespmem:v50+s15+$0x0] =	vst.idx.add.f32.msk $0xffff, v6  }
0xd4: {  	v6 =	vld.idx.msk [tilespmem:v21+s2+$0x0], $0xffff  }
0xd5: {  	v7 =	vld.idx.msk [tilespmem:v7+s2+$0x0], $0xffff  }
0xd6: {  	v13 =	vld.idx.msk [tilespmem:v8+s2+$0x0], $0xffff  }
0xd7: {  	v9 =	vld.idx.msk [tilespmem:v9+s2+$0x0], $0xffff  }
0xd8: {  	v10 =	vld.idx.msk [tilespmem:v10+s2+$0x0], $0xffff  }
0xd9: {  	v11 =	vld.idx.msk [tilespmem:v11+s2+$0x0], $0xffff  }
0xda: {  	v6 =	vmul.f32 v6, v18;
	v8 =	vld.idx.msk [tilespmem:v12+s2+$0x0], $0xffff  }
.Ltmp1:
0xdb: {  	v7 =	vmul.f32 v7, v19;
	[tilespmem:v4+s15+$0x0] =	vst.idx.add.f32.msk $0xffff, v5;
	v4 =	vmov v51;
	(pc) =	sbr.rel @p0 .LBB2_4-.Ltmp1, $4  }
0xdc: {  	v5 =	vmul.f32 v13, v17;
	[tilespmem:v28+s15+$0x0] =	vst.idx.add.f32.msk $0xffff, v6  }
0xdd: {  	v6 =	vmul.f32 v9, v15;
	[tilespmem:v31+s15+$0x0] =	vst.idx.add.f32.msk $0xffff, v7  }
0xde: {  	v13 =	vmul.f32 v10, v16;
	[tilespmem:v32+s15+$0x0] =	vst.idx.add.f32.msk $0xffff, v5  }
0xdf: {  	s23 =	sadd.s32 $0x80, s23;
	[tilespmem:v34+s15+$0x0] =	vst.idx.add.f32.msk $0xffff, v6;
	v6 =	vmul.f32 v11, v23  }
0xe0: {  	_ =	sdelay $0x3  }
0xe1: {  	v1 =	vmul.f32 v8, v1;
	[tilespmem:v2+s15+$0x0] =	vst.idx.add.f32.msk $0xffff, v13  }
0xe2: {  	[tilespmem:v3+s15+$0x0] =	vst.idx.add.f32.msk $0xffff, v6  }
0xe3: {  	[tilespmem:v4+s15+$0x0] =	vst.idx.add.f32.msk $0xffff, v1  }
0xe4: {  	v1 =	vld [tilespmem:$0x16700];
	_ =	sdelay $0x5  }
0xe5: {  	v2 =	vld [tilespmem:$0x18E80]  }
0xe6: {  	v3 =	vld [tilespmem:$0x1B600]  }
0xe7: {  	v4 =	vld.idx.msk [tilespmem:v1+s2+$0x0], $0xffff;
	_ =	sdelay $0x2  }
0xe8: {  	v5 =	vadd.s32 $0x2800, v1;
	_ =	sdelay $0x1  }
0xe9: {  	v4 =	vmul.f32 v4, v3;
	_ =	sdelay $0x1  }
0xea: {  	[tilespmem:v2+s15+$0x0] =	vst.idx.add.f32.msk $0xffff, v4  }
0xeb: {  	v4 =	vld.idx.msk [tilespmem:v5+s2+$0x0], $0xffff;
	_ =	sdelay $0x1  }
0xec: {  	v61 =	vadd.s32 $0x2800, v2  }
0xed: {  	v62 =	vadd.s32 $0x5000, v1;
	_ =	sdelay $0x1  }
0xee: {  	v4 =	vmul.f32 v4, v3;
	_ =	sdelay $0x1  }
0xef: {  	[tilespmem:v61+s15+$0x0] =	vst.idx.add.f32.msk $0xffff, v4  }
0xf0: {  	v4 =	vld.idx.msk [tilespmem:v62+s2+$0x0], $0xffff;
	_ =	sdelay $0x1  }
0xf1: {  	v63 =	vadd.s32 $0x5000, v2  }
0xf2: {  	v1 =	vadd.s32 $0x7800, v1;
	_ =	sdelay $0x1  }
0xf3: {  	v4 =	vmul.f32 v4, v3;
	_ =	sdelay $0x1  }
0xf4: {  	[tilespmem:v63+s15+$0x0] =	vst.idx.add.f32.msk $0xffff, v4  }
0xf5: {  	v1 =	vld.idx.msk [tilespmem:v1+s2+$0x0], $0xffff;
	_ =	sdelay $0x1  }
0xf6: {  	v2 =	vadd.s32 $0x7800, v2;
	_ =	sdelay $0x2  }
0xf7: {  	v1 =	vmul.f32 v1, v3;
	_ =	sdelay $0x1  }
0xf8: {  	[tilespmem:v2+s15+$0x0] =	vst.idx.add.f32.msk $0xffff, v1  }
0xf9: {  	[tilespmem:s2], [sflag:$0x1] =	stream.linear.gather [hbm4b:s7+s2], $0xA000, $0x38;
	[tilespmem:$0x1B680] =	vst v63  }
0xfa: {  	_ = 	snop  }
0xfb: {  	[hbm4b:s8+s16] =	stream.strided.scatter [tilespmem:s15], [sflag:$0x2], $0xA000, s17, s16, $0x38;
	[tilespmem:$0x1B680] =	vst v63  }
0xfc: {  	_ =	swait.ge [sflag:s18], $0xA000  }
0xfd: {  	[sflag:s18] =	ssyncset.done $0x0  }
0xfe: {  	s20 =	simm.s32 $0xA040;
	[sflag:s18] =	ssyncadd.s32 $0xFFFF6000  }
0xff: {  	[tilespmem:s20+$0xFFFFFFC0] =	vst v0  }
0x100: {  	[tilespmem:s20+$0x30] =	vst v0  }
0x101: {  	[tilespmem:s20+$0x20] =	vst v0  }
0x102: {  	[tilespmem:s20+$0x10] =	vst v0  }
0x103: {  	[tilespmem:s20+$0x0] =	vst v0  }
0x104: {  	[tilespmem:s20+$0xFFFFFFF0] =	vst v0  }
0x105: {  	s21 =	simm.s32 $0x0;
	[tilespmem:s20+$0xFFFFFFE0] =	vst v0  }
.LBB2_6:
0x106: {  	s21 =	sadd.s32 $0x80, s21;
	[tilespmem:s20+$0xFFFFFFD0] =	vst v0;
	s20 =	sadd.s32 $0x80, s20  }
0x107: {  	[tilespmem:s20+$0xFFFFFFC0] =	vst v0;
	p0 =	slt.u32 s21, $0x9F80  }
0x108: {  	[tilespmem:s20+$0x30] =	vst v0  }
.Ltmp2:
0x109: {  	[tilespmem:s20+$0x20] =	vst v0;
	(pc) =	sbr.rel @p0 .LBB2_6-.Ltmp2, $4  }
0x10a: {  	[tilespmem:s20+$0x10] =	vst v0  }
0x10b: {  	[tilespmem:s20+$0x0] =	vst v0  }
0x10c: {  	[tilespmem:s20+$0xFFFFFFF0] =	vst v0  }
0x10d: {  	[tilespmem:s20+$0xFFFFFFE0] =	vst v0  }
0x10e: {  	[tilespmem:s20+$0xFFFFFFD0] =	vst v0  }
0x10f: {  	_ =	swait.ge [sflag:s14], $0xA000  }
0x110: {  	[sflag:s14] =	ssyncset.done $0x0  }
0x111: {  	s22 =	simm.s32 $0x14040;
	[sflag:s14] =	ssyncadd.s32 $0xFFFF6000  }
0x112: {  	v11 =	vld [tilespmem:s22+$0x30]  }
0x113: {  	v9 =	vld [tilespmem:s22+$0xFFFFFFD0]  }
0x114: {  	v8 =	vld [tilespmem:s22+$0xFFFFFFE0]  }
0x115: {  	v5 =	vld [tilespmem:s22+$0xFFFFFFF0]  }
0x116: {  	v4 =	vld [tilespmem:s22+$0x0]  }
0x117: {  	v2 =	vld [tilespmem:s22+$0x10]  }
0x118: {  	s20 =	simm.s32 $0x167C0;
	v3 =	vld [tilespmem:s22+$0x20]  }
0x119: {  	s21 =	simm.s32 $0x18F40;
	v12 =	vld [tilespmem:s20+$0x30]  }
0x11a: {  	v13 =	vld [tilespmem:s21+$0x30]  }
0x11b: {  	v14 =	vld [tilespmem:s22+$0xFFFFFFC0]  }
0x11c: {  	v22 =	vld [tilespmem:s21+$0xFFFFFFC0]  }
0x11d: {  	v23 =	vld [tilespmem:s21+$0xFFFFFFD0]  }
0x11e: {  	v25 =	vld [tilespmem:s21+$0xFFFFFFE0]  }
0x11f: {  	v10 =	vld [tilespmem:s21+$0xFFFFFFF0]  }
0x120: {  	v1 =	vld.idx.msk [tilespmem:v11+s2+$0x0], $0xffff  }
0x121: {  	v26 =	vld [tilespmem:s20+$0xFFFFFFC0]  }
0x122: {  	v28 =	vld [tilespmem:s20+$0xFFFFFFD0]  }
0x123: {  	v29 =	vld [tilespmem:s20+$0xFFFFFFE0];
	v6 =	vadd.s32 $0x2800, v11  }
0x124: {  	v30 =	vld [tilespmem:s20+$0xFFFFFFF0]  }
0x125: {  	v31 =	vld [tilespmem:s20+$0x0];
	v1 =	vmul.f32 v1, v13  }
0x126: {  	v40 =	vld [tilespmem:s20+$0x10]  }
0x127: {  	[tilespmem:v12+s15+$0x0] =	vst.idx.add.f32.msk $0xffff, v1  }
0x128: {  	v1 =	vld.idx.msk [tilespmem:v6+s2+$0x0], $0xffff  }
0x129: {  	v41 =	vld [tilespmem:s20+$0x20]  }
0x12a: {  	v7 =	vadd.s32 $0x2800, v12;
	v15 =	vld.idx.msk [tilespmem:v9+s2+$0x0], $0xffff  }
0x12b: {  	v24 =	vadd.s32 $0x5000, v11;
	v16 =	vld.idx.msk [tilespmem:v8+s2+$0x0], $0xffff  }
0x12c: {  	v20 =	vld.idx.msk [tilespmem:v14+s2+$0x0], $0xffff  }
0x12d: {  	v18 =	vld.idx.msk [tilespmem:v4+s2+$0x0], $0xffff;
	v1 =	vmul.f32 v1, v13  }
0x12e: {  	v6 =	vld [tilespmem:s21+$0x0]  }
0x12f: {  	[tilespmem:v7+s15+$0x0] =	vst.idx.add.f32.msk $0xffff, v1  }
0x130: {  	v24 =	vld.idx.msk [tilespmem:v24+s2+$0x0], $0xffff  }
0x131: {  	v17 =	vld.idx.msk [tilespmem:v5+s2+$0x0], $0xffff;
	v20 =	vmul.f32 v20, v22  }
0x132: {  	v27 =	vadd.s32 $0x5000, v12;
	v19 =	vld.idx.msk [tilespmem:v2+s2+$0x0], $0xffff;
	v15 =	vmul.f32 v15, v23  }
0x133: {  	v11 =	vadd.s32 $0x7800, v11;
	v16 =	vmul.f32 v16, v25;
	[tilespmem:v26+s15+$0x0] =	vst.idx.add.f32.msk $0xffff, v20  }
0x134: {  	v42 =	vadd.s32 $0x2800, v14;
	[tilespmem:v28+s15+$0x0] =	vst.idx.add.f32.msk $0xffff, v15;
	v15 =	vmul.f32 v18, v6  }
0x135: {  	[tilespmem:v29+s15+$0x0] =	vst.idx.add.f32.msk $0xffff, v16;
	v24 =	vmul.f32 v24, v13  }
0x136: {  	[tilespmem:v31+s15+$0x0] =	vst.idx.add.f32.msk $0xffff, v15  }
0x137: {  	v15 =	vadd.s32 $0x2800, v8;
	[tilespmem:v27+s15+$0x0] =	vst.idx.add.f32.msk $0xffff, v24  }
0x138: {  	v11 =	vld.idx.msk [tilespmem:v11+s2+$0x0], $0xffff  }
0x139: {  	v16 =	vld.idx.msk [tilespmem:v42+s2+$0x0], $0xffff  }
0x13a: {  	v12 =	vadd.s32 $0x7800, v12;
	v7 =	vld [tilespmem:s21+$0x10]  }
0x13b: {  	v47 =	vadd.s32 $0x2800, v26;
	v21 =	vld.idx.msk [tilespmem:v3+s2+$0x0], $0xffff;
	v17 =	vmul.f32 v17, v10  }
0x13c: {  	v15 =	vld.idx.msk [tilespmem:v15+s2+$0x0], $0xffff  }
0x13d: {  	[tilespmem:v30+s15+$0x0] =	vst.idx.add.f32.msk $0xffff, v17;
	v11 =	vmul.f32 v11, v13;
	v13 =	vadd.s32 $0x2800, v9  }
0x13e: {  	v49 =	vadd.s32 $0x2800, v29;
	v16 =	vmul.f32 v16, v22;
	v1 =	vld [tilespmem:s21+$0x20]  }
0x13f: {  	v43 =	vmul.f32 v19, v7;
	[tilespmem:v12+s15+$0x0] =	vst.idx.add.f32.msk $0xffff, v11;
	v11 =	vadd.s32 $0x2800, v5  }
0x140: {  	[tilespmem:v47+s15+$0x0] =	vst.idx.add.f32.msk $0xffff, v16;
	v12 =	vadd.s32 $0x2800, v4  }
0x141: {  	[tilespmem:v40+s15+$0x0] =	vst.idx.add.f32.msk $0xffff, v43;
	v15 =	vmul.f32 v15, v25  }
0x142: {  	v45 =	vadd.s32 $0x2800, v2;
	v13 =	vld.idx.msk [tilespmem:v13+s2+$0x0], $0xffff  }
0x143: {  	v46 =	vadd.s32 $0x2800, v3;
	[tilespmem:v49+s15+$0x0] =	vst.idx.add.f32.msk $0xffff, v15  }
0x144: {  	v48 =	vadd.s32 $0x2800, v28;
	v44 =	vmul.f32 v21, v1;
	v11 =	vld.idx.msk [tilespmem:v11+s2+$0x0], $0xffff  }
0x145: {  	v15 =	vadd.s32 $0x5000, v9;
	v12 =	vld.idx.msk [tilespmem:v12+s2+$0x0], $0xffff  }
0x146: {  	v32 =	vadd.s32 $0x2800, v30;
	[tilespmem:v41+s15+$0x0] =	vst.idx.add.f32.msk $0xffff, v44  }
0x147: {  	v33 =	vadd.s32 $0x2800, v31;
	v17 =	vld.idx.msk [tilespmem:v45+s2+$0x0], $0xffff;
	v13 =	vmul.f32 v13, v23  }
0x148: {  	v51 =	vadd.s32 $0x5000, v8;
	v18 =	vld.idx.msk [tilespmem:v46+s2+$0x0], $0xffff  }
0x149: {  	v52 =	vadd.s32 $0x5000, v5;
	[tilespmem:v48+s15+$0x0] =	vst.idx.add.f32.msk $0xffff, v13;
	v11 =	vmul.f32 v11, v10  }
0x14a: {  	v34 =	vadd.s32 $0x2800, v40;
	v12 =	vmul.f32 v12, v6;
	v15 =	vld.idx.msk [tilespmem:v15+s2+$0x0], $0xffff  }
0x14b: {  	v50 =	vadd.s32 $0x2800, v41;
	[tilespmem:v32+s15+$0x0] =	vst.idx.add.f32.msk $0xffff, v11  }
0x14c: {  	v13 =	vadd.s32 $0x5000, v14;
	[tilespmem:v33+s15+$0x0] =	vst.idx.add.f32.msk $0xffff, v12  }
0x14d: {  	v53 =	vadd.s32 $0x5000, v3;
	v11 =	vmul.f32 v17, v7;
	v17 =	vld.idx.msk [tilespmem:v51+s2+$0x0], $0xffff  }
0x14e: {  	v55 =	vadd.s32 $0x5000, v28;
	v12 =	vmul.f32 v18, v1;
	v18 =	vld.idx.msk [tilespmem:v52+s2+$0x0], $0xffff  }
0x14f: {  	[tilespmem:v34+s15+$0x0] =	vst.idx.add.f32.msk $0xffff, v11;
	v11 =	vadd.s32 $0x5000, v4  }
0x150: {  	[tilespmem:v50+s15+$0x0] =	vst.idx.add.f32.msk $0xffff, v12;
	v12 =	vadd.s32 $0x5000, v2  }
0x151: {  	v9 =	vadd.s32 $0x7800, v9;
	v13 =	vld.idx.msk [tilespmem:v13+s2+$0x0], $0xffff;
	v15 =	vmul.f32 v15, v23  }
0x152: {  	v57 =	vadd.s32 $0x5000, v30;
	v16 =	vld.idx.msk [tilespmem:v53+s2+$0x0], $0xffff  }
0x153: {  	v54 =	vadd.s32 $0x5000, v26;
	[tilespmem:v55+s15+$0x0] =	vst.idx.add.f32.msk $0xffff, v15  }
0x154: {  	v5 =	vadd.s32 $0x7800, v5;
	v11 =	vld.idx.msk [tilespmem:v11+s2+$0x0], $0xffff  }
0x155: {  	v56 =	vadd.s32 $0x5000, v29;
	v15 =	vmul.f32 v18, v10;
	v12 =	vld.idx.msk [tilespmem:v12+s2+$0x0], $0xffff  }
0x156: {  	v8 =	vadd.s32 $0x7800, v8;
	v9 =	vld.idx.msk [tilespmem:v9+s2+$0x0], $0xffff;
	v13 =	vmul.f32 v13, v22  }
0x157: {  	v58 =	vadd.s32 $0x5000, v31;
	[tilespmem:v57+s15+$0x0] =	vst.idx.add.f32.msk $0xffff, v15  }
0x158: {  	v59 =	vadd.s32 $0x5000, v40;
	[tilespmem:v54+s15+$0x0] =	vst.idx.add.f32.msk $0xffff, v13;
	v13 =	vmul.f32 v17, v25  }
0x159: {  	v60 =	vadd.s32 $0x5000, v41;
	v5 =	vld.idx.msk [tilespmem:v5+s2+$0x0], $0xffff  }
0x15a: {  	v14 =	vadd.s32 $0x7800, v14;
	[tilespmem:v56+s15+$0x0] =	vst.idx.add.f32.msk $0xffff, v13;
	v11 =	vmul.f32 v11, v6  }
0x15b: {  	v4 =	vadd.s32 $0x7800, v4;
	v12 =	vmul.f32 v12, v7;
	v13 =	vld.idx.msk [tilespmem:v8+s2+$0x0], $0xffff  }
0x15c: {  	v2 =	vadd.s32 $0x7800, v2;
	[tilespmem:v58+s15+$0x0] =	vst.idx.add.f32.msk $0xffff, v11;
	v11 =	vmul.f32 v16, v1  }
0x15d: {  	v3 =	vadd.s32 $0x7800, v3;
	[tilespmem:v59+s15+$0x0] =	vst.idx.add.f32.msk $0xffff, v12  }
0x15e: {  	v62 =	vadd.s32 $0x7800, v30;
	[tilespmem:v60+s15+$0x0] =	vst.idx.add.f32.msk $0xffff, v11  }
0x15f: {  	v15 =	vadd.s32 $0x7800, v29;
	v11 =	vld.idx.msk [tilespmem:v14+s2+$0x0], $0xffff  }
0x160: {  	v61 =	vld.idx.msk [tilespmem:v4+s2+$0x0], $0xffff;
	v14 =	vadd.s32 $0x7800, v28  }
0x161: {  	v12 =	vadd.s32 $0x7800, v26;
	v5 =	vmul.f32 v5, v10;
	v63 =	vld.idx.msk [tilespmem:v2+s2+$0x0], $0xffff  }
0x162: {  	v8 =	vld.idx.msk [tilespmem:v3+s2+$0x0], $0xffff;
	v4 =	vmul.f32 v13, v25  }
0x163: {  	[tilespmem:v62+s15+$0x0] =	vst.idx.add.f32.msk $0xffff, v5;
	v3 =	vmul.f32 v9, v23  }
0x164: {  	[tilespmem:v15+s15+$0x0] =	vst.idx.add.f32.msk $0xffff, v4;
	v2 =	vmul.f32 v11, v22  }
0x165: {  	v4 =	vadd.s32 $0x7800, v41;
	v13 =	vmul.f32 v61, v6;
	[tilespmem:v14+s15+$0x0] =	vst.idx.add.f32.msk $0xffff, v3  }
0x166: {  	s23 =	simm.s32 $0x140C0;
	s22 =	simm.s32 $0x0;
	v6 =	vmul.f32 v63, v7;
	v3 =	vadd.s32 $0x7800, v40;
	[tilespmem:v12+s15+$0x0] =	vst.idx.add.f32.msk $0xffff, v2;
	v2 =	vadd.s32 $0x7800, v31  }
.LBB2_8:
0x167: {  	v28 =	vld [tilespmem:s23+$0x30];
	s22 =	sadd.s32 $0x80, s22;
	v5 =	vmul.f32 v8, v1  }
0x168: {  	v1 =	vld [tilespmem:s23+$0xFFFFFFD0];
	p0 =	slt.u32 s22, $0x2680  }
0x169: {  	v15 =	vld [tilespmem:s23+$0xFFFFFFE0]  }
0x16a: {  	v16 =	vld [tilespmem:s23+$0xFFFFFFF0]  }
0x16b: {  	v17 =	vld [tilespmem:s23+$0x0]  }
0x16c: {  	v18 =	vld [tilespmem:s23+$0x10]  }
0x16d: {  	s20 =	sadd.s32 $0x80, s20;
	v27 =	vadd.s32 $0x2800, v1;
	v14 =	vadd.s32 $0x5000, v1;
	v7 =	vadd.s32 $0x7800, v1;
	v19 =	vld [tilespmem:s23+$0x20]  }
0x16e: {  	v29 =	vadd.s32 $0x2800, v15;
	v20 =	vadd.s32 $0x5000, v15;
	v8 =	vadd.s32 $0x7800, v15;
	v36 =	vld [tilespmem:s20+$0x30]  }
0x16f: {  	s21 =	sadd.s32 $0x80, s21;
	v33 =	vadd.s32 $0x2800, v16;
	v22 =	vadd.s32 $0x5000, v16;
	v9 =	vadd.s32 $0x7800, v16;
	v21 =	vld.idx.msk [tilespmem:v28+s2+$0x0], $0xffff  }
0x170: {  	v35 =	vadd.s32 $0x2800, v17;
	v24 =	vadd.s32 $0x5000, v17;
	v10 =	vadd.s32 $0x7800, v17;
	v37 =	vld [tilespmem:s21+$0x30]  }
0x171: {  	v23 =	vld [tilespmem:s23+$0xFFFFFFC0];
	v38 =	vadd.s32 $0x2800, v18;
	v25 =	vadd.s32 $0x5000, v18;
	v11 =	vadd.s32 $0x7800, v18  }
0x172: {  	v1 =	vld.idx.msk [tilespmem:v1+s2+$0x0], $0xffff;
	v39 =	vadd.s32 $0x2800, v19;
	v26 =	vadd.s32 $0x5000, v19;
	v12 =	vadd.s32 $0x7800, v19  }
0x173: {  	v31 =	vld.idx.msk [tilespmem:v15+s2+$0x0], $0xffff;
	v15 =	vadd.s32 $0x2800, v28  }
0x174: {  	v32 =	vld.idx.msk [tilespmem:v16+s2+$0x0], $0xffff  }
0x175: {  	v34 =	vld.idx.msk [tilespmem:v17+s2+$0x0], $0xffff;
	v16 =	vmul.f32 v21, v37  }
0x176: {  	v40 =	vadd.s32 $0x2800, v23;
	v30 =	vadd.s32 $0x5000, v23;
	v21 =	vadd.s32 $0x7800, v23;
	v41 =	vld.idx.msk [tilespmem:v18+s2+$0x0], $0xffff  }
0x177: {  	[tilespmem:v36+s15+$0x0] =	vst.idx.add.f32.msk $0xffff, v16  }
0x178: {  	v16 =	vld.idx.msk [tilespmem:v15+s2+$0x0], $0xffff  }
0x179: {  	v23 =	vld.idx.msk [tilespmem:v23+s2+$0x0], $0xffff  }
0x17a: {  	v42 =	vld.idx.msk [tilespmem:v19+s2+$0x0], $0xffff  }
0x17b: {  	v43 =	vadd.s32 $0x2800, v36;
	v18 =	vld [tilespmem:s21+$0xFFFFFFC0]  }
0x17c: {  	v44 =	vadd.s32 $0x5000, v28;
	v19 =	vld [tilespmem:s21+$0xFFFFFFD0]  }
0x17d: {  	v17 =	vld [tilespmem:s21+$0xFFFFFFE0]  }
0x17e: {  	v45 =	vmul.f32 v16, v37;
	v15 =	vld [tilespmem:s21+$0xFFFFFFF0]  }
0x17f: {  	v16 =	vld [tilespmem:s21+$0x0]  }
0x180: {  	v46 =	vmul.f32 v23, v18;
	[tilespmem:v43+s15+$0x0] =	vst.idx.add.f32.msk $0xffff, v45  }
0x181: {  	v43 =	vmul.f32 v1, v19;
	v44 =	vld.idx.msk [tilespmem:v44+s2+$0x0], $0xffff  }
0x182: {  	v45 =	vmul.f32 v31, v17;
	v23 =	vld [tilespmem:s21+$0x10]  }
0x183: {  	v47 =	vmul.f32 v32, v15;
	v1 =	vld [tilespmem:s21+$0x20]  }
0x184: {  	v31 =	vadd.s32 $0x5000, v36;
	v48 =	vld [tilespmem:s20+$0xFFFFFFC0];
	v49 =	vmul.f32 v34, v16  }
0x185: {  	v32 =	vadd.s32 $0x7800, v28;
	v50 =	vld [tilespmem:s20+$0xFFFFFFD0]  }
0x186: {  	v51 =	vld [tilespmem:s20+$0xFFFFFFE0]  }
0x187: {  	v34 =	vmul.f32 v44, v37;
	v52 =	vld [tilespmem:s20+$0xFFFFFFF0];
	v41 =	vmul.f32 v41, v23  }
0x188: {  	v44 =	vld [tilespmem:s20+$0x0];
	v42 =	vmul.f32 v42, v1  }
0x189: {  	v53 =	vadd.s32 $0x2800, v48;
	v54 =	vadd.s32 $0x5000, v48;
	v28 =	vadd.s32 $0x7800, v48;
	[tilespmem:v31+s15+$0x0] =	vst.idx.add.f32.msk $0xffff, v34  }
0x18a: {  	v55 =	vadd.s32 $0x2800, v50;
	v56 =	vadd.s32 $0x5000, v50;
	v31 =	vadd.s32 $0x7800, v50;
	v57 =	vld.idx.msk [tilespmem:v32+s2+$0x0], $0xffff  }
0x18b: {  	v58 =	vadd.s32 $0x2800, v51;
	v59 =	vadd.s32 $0x5000, v51;
	v32 =	vadd.s32 $0x7800, v51;
	v60 =	vld [tilespmem:s20+$0x10]  }
0x18c: {  	v61 =	vadd.s32 $0x2800, v52;
	v62 =	vadd.s32 $0x5000, v52;
	v34 =	vadd.s32 $0x7800, v52;
	v63 =	vld [tilespmem:s20+$0x20]  }
0x18d: {  	v36 =	vadd.s32 $0x7800, v36;
	[tilespmem:v48+s15+$0x0] =	vst.idx.add.f32.msk $0xffff, v46;
	v46 =	vadd.s32 $0x2800, v44;
	v48 =	vadd.s32 $0x5000, v44  }
0x18e: {  	[tilespmem:v50+s15+$0x0] =	vst.idx.add.f32.msk $0xffff, v43;
	v43 =	vadd.s32 $0x7800, v44  }
0x18f: {  	[tilespmem:v51+s15+$0x0] =	vst.idx.add.f32.msk $0xffff, v45  }
0x190: {  	v37 =	vmul.f32 v57, v37;
	[tilespmem:v52+s15+$0x0] =	vst.idx.add.f32.msk $0xffff, v47;
	v45 =	vadd.s32 $0x2800, v60;
	v47 =	vadd.s32 $0x5000, v60  }
0x191: {  	[tilespmem:v44+s15+$0x0] =	vst.idx.add.f32.msk $0xffff, v49;
	v44 =	vadd.s32 $0x7800, v60;
	v49 =	vadd.s32 $0x2800, v63;
	v50 =	vadd.s32 $0x5000, v63  }
0x192: {  	v51 =	vadd.s32 $0x7800, v63;
	[tilespmem:v36+s15+$0x0] =	vst.idx.add.f32.msk $0xffff, v37  }
0x193: {  	[tilespmem:v60+s15+$0x0] =	vst.idx.add.f32.msk $0xffff, v41  }
0x194: {  	[tilespmem:v63+s15+$0x0] =	vst.idx.add.f32.msk $0xffff, v42  }
0x195: {  	v36 =	vld.idx.msk [tilespmem:v40+s2+$0x0], $0xffff  }
0x196: {  	v27 =	vld.idx.msk [tilespmem:v27+s2+$0x0], $0xffff  }
0x197: {  	v29 =	vld.idx.msk [tilespmem:v29+s2+$0x0], $0xffff  }
0x198: {  	v33 =	vld.idx.msk [tilespmem:v33+s2+$0x0], $0xffff  }
0x199: {  	v35 =	vld.idx.msk [tilespmem:v35+s2+$0x0], $0xffff  }
0x19a: {  	v37 =	vld.idx.msk [tilespmem:v38+s2+$0x0], $0xffff  }
0x19b: {  	v36 =	vmul.f32 v36, v18;
	v38 =	vld.idx.msk [tilespmem:v39+s2+$0x0], $0xffff  }
0x19c: {  	v27 =	vmul.f32 v27, v19;
	[tilespmem:v2+s15+$0x0] =	vst.idx.add.f32.msk $0xffff, v13;
	v2 =	vmov v43  }
0x19d: {  	v13 =	vmul.f32 v29, v17;
	[tilespmem:v53+s15+$0x0] =	vst.idx.add.f32.msk $0xffff, v36  }
0x19e: {  	[tilespmem:v55+s15+$0x0] =	vst.idx.add.f32.msk $0xffff, v27;
	v27 =	vmul.f32 v33, v15  }
0x19f: {  	[tilespmem:v58+s15+$0x0] =	vst.idx.add.f32.msk $0xffff, v13;
	v13 =	vmul.f32 v35, v16  }
0x1a0: {  	[tilespmem:v61+s15+$0x0] =	vst.idx.add.f32.msk $0xffff, v27;
	v27 =	vmul.f32 v37, v23  }
0x1a1: {  	[tilespmem:v46+s15+$0x0] =	vst.idx.add.f32.msk $0xffff, v13;
	v13 =	vmul.f32 v38, v1  }
0x1a2: {  	[tilespmem:v45+s15+$0x0] =	vst.idx.add.f32.msk $0xffff, v27  }
0x1a3: {  	[tilespmem:v49+s15+$0x0] =	vst.idx.add.f32.msk $0xffff, v13  }
0x1a4: {  	v13 =	vld.idx.msk [tilespmem:v30+s2+$0x0], $0xffff  }
0x1a5: {  	v14 =	vld.idx.msk [tilespmem:v14+s2+$0x0], $0xffff  }
0x1a6: {  	v20 =	vld.idx.msk [tilespmem:v20+s2+$0x0], $0xffff  }
0x1a7: {  	v22 =	vld.idx.msk [tilespmem:v22+s2+$0x0], $0xffff  }
0x1a8: {  	v24 =	vld.idx.msk [tilespmem:v24+s2+$0x0], $0xffff  }
0x1a9: {  	v25 =	vld.idx.msk [tilespmem:v25+s2+$0x0], $0xffff  }
0x1aa: {  	v13 =	vmul.f32 v13, v18;
	v26 =	vld.idx.msk [tilespmem:v26+s2+$0x0], $0xffff  }
0x1ab: {  	v14 =	vmul.f32 v14, v19;
	[tilespmem:v3+s15+$0x0] =	vst.idx.add.f32.msk $0xffff, v6;
	v3 =	vmov v44  }
0x1ac: {  	v6 =	vmul.f32 v20, v17;
	[tilespmem:v54+s15+$0x0] =	vst.idx.add.f32.msk $0xffff, v13  }
0x1ad: {  	v13 =	vmul.f32 v22, v15;
	[tilespmem:v56+s15+$0x0] =	vst.idx.add.f32.msk $0xffff, v14  }
0x1ae: {  	[tilespmem:v59+s15+$0x0] =	vst.idx.add.f32.msk $0xffff, v6;
	v6 =	vmul.f32 v24, v16  }
0x1af: {  	[tilespmem:v62+s15+$0x0] =	vst.idx.add.f32.msk $0xffff, v13;
	v13 =	vmul.f32 v25, v23  }
0x1b0: {  	[tilespmem:v48+s15+$0x0] =	vst.idx.add.f32.msk $0xffff, v6;
	v6 =	vmul.f32 v26, v1  }
0x1b1: {  	[tilespmem:v47+s15+$0x0] =	vst.idx.add.f32.msk $0xffff, v13  }
0x1b2: {  	[tilespmem:v50+s15+$0x0] =	vst.idx.add.f32.msk $0xffff, v6  }
0x1b3: {  	v6 =	vld.idx.msk [tilespmem:v21+s2+$0x0], $0xffff  }
0x1b4: {  	v7 =	vld.idx.msk [tilespmem:v7+s2+$0x0], $0xffff  }
0x1b5: {  	v13 =	vld.idx.msk [tilespmem:v8+s2+$0x0], $0xffff  }
0x1b6: {  	v9 =	vld.idx.msk [tilespmem:v9+s2+$0x0], $0xffff  }
0x1b7: {  	v10 =	vld.idx.msk [tilespmem:v10+s2+$0x0], $0xffff  }
0x1b8: {  	v11 =	vld.idx.msk [tilespmem:v11+s2+$0x0], $0xffff  }
0x1b9: {  	v6 =	vmul.f32 v6, v18;
	v8 =	vld.idx.msk [tilespmem:v12+s2+$0x0], $0xffff  }
.Ltmp3:
0x1ba: {  	v7 =	vmul.f32 v7, v19;
	[tilespmem:v4+s15+$0x0] =	vst.idx.add.f32.msk $0xffff, v5;
	v4 =	vmov v51;
	(pc) =	sbr.rel @p0 .LBB2_8-.Ltmp3, $4  }
0x1bb: {  	v5 =	vmul.f32 v13, v17;
	[tilespmem:v28+s15+$0x0] =	vst.idx.add.f32.msk $0xffff, v6  }
0x1bc: {  	v6 =	vmul.f32 v9, v15;
	[tilespmem:v31+s15+$0x0] =	vst.idx.add.f32.msk $0xffff, v7  }
0x1bd: {  	v13 =	vmul.f32 v10, v16;
	[tilespmem:v32+s15+$0x0] =	vst.idx.add.f32.msk $0xffff, v5  }
0x1be: {  	s23 =	sadd.s32 $0x80, s23;
	[tilespmem:v34+s15+$0x0] =	vst.idx.add.f32.msk $0xffff, v6;
	v6 =	vmul.f32 v11, v23  }
0x1bf: {  	_ =	sdelay $0x3  }
0x1c0: {  	v1 =	vmul.f32 v8, v1;
	[tilespmem:v2+s15+$0x0] =	vst.idx.add.f32.msk $0xffff, v13  }
0x1c1: {  	[tilespmem:v3+s15+$0x0] =	vst.idx.add.f32.msk $0xffff, v6  }
0x1c2: {  	[tilespmem:v4+s15+$0x0] =	vst.idx.add.f32.msk $0xffff, v1  }
0x1c3: {  	v1 =	vld [tilespmem:$0x16700];
	_ =	sdelay $0x5  }
0x1c4: {  	v2 =	vld [tilespmem:$0x18E80]  }
0x1c5: {  	v3 =	vld [tilespmem:$0x1B600]  }
0x1c6: {  	v4 =	vld.idx.msk [tilespmem:v1+s2+$0x0], $0xffff;
	_ =	sdelay $0x2  }
0x1c7: {  	v5 =	vadd.s32 $0x2800, v1;
	_ =	sdelay $0x1  }
0x1c8: {  	v4 =	vmul.f32 v4, v3;
	_ =	sdelay $0x1  }
0x1c9: {  	[tilespmem:v2+s15+$0x0] =	vst.idx.add.f32.msk $0xffff, v4  }
0x1ca: {  	v4 =	vld.idx.msk [tilespmem:v5+s2+$0x0], $0xffff;
	_ =	sdelay $0x1  }
0x1cb: {  	v61 =	vadd.s32 $0x2800, v2  }
0x1cc: {  	v62 =	vadd.s32 $0x5000, v1;
	_ =	sdelay $0x1  }
0x1cd: {  	v4 =	vmul.f32 v4, v3;
	_ =	sdelay $0x1  }
0x1ce: {  	[tilespmem:v61+s15+$0x0] =	vst.idx.add.f32.msk $0xffff, v4  }
0x1cf: {  	v4 =	vld.idx.msk [tilespmem:v62+s2+$0x0], $0xffff;
	_ =	sdelay $0x1  }
0x1d0: {  	v63 =	vadd.s32 $0x5000, v2  }
0x1d1: {  	v1 =	vadd.s32 $0x7800, v1;
	_ =	sdelay $0x1  }
0x1d2: {  	v4 =	vmul.f32 v4, v3;
	_ =	sdelay $0x1  }
0x1d3: {  	[tilespmem:v63+s15+$0x0] =	vst.idx.add.f32.msk $0xffff, v4  }
0x1d4: {  	v1 =	vld.idx.msk [tilespmem:v1+s2+$0x0], $0xffff;
	_ =	sdelay $0x1  }
0x1d5: {  	v2 =	vadd.s32 $0x7800, v2;
	_ =	sdelay $0x2  }
0x1d6: {  	s19 =	sadd.s32 $0x1, s19;
	v1 =	vmul.f32 v1, v3  }
0x1d7: {  	p0 =	sne.s32 s19, s10  }
.Ltmp4:
0x1d8: {  	[tilespmem:v2+s15+$0x0] =	vst.idx.add.f32.msk $0xffff, v1;
	(pc) =	sbr.rel @p0 .LBB2_1-.Ltmp4, $4  }
0x1d9: {  	[hbm4b:s9+s16] =	stream.strided.scatter [tilespmem:s15], [sflag:$0x2], $0xA000, s17, s16, $0x38;
	[tilespmem:$0x1B680] =	vst v63  }
0x1da: {  	_ =	swait.ge [sflag:s18], $0xA000  }
0x1db: {  	[sflag:s18] =	ssyncset.done $0x0  }
0x1dc: {  	[sflag:s18] =	ssyncadd.s32 $0xFFFF6000  }
0x1dd: {  	_ =	sfence.sel $0x180000  }
0x1de: {  	[bflag:$0x0] =	sbarrier.arrive $0xFFFF  }
0x1df: {  	p0 =	sne.s32 s1, $0x0;
	_ =	strace $0x90000047  }
0x1e0: {  	s0 =	sadd.s32 @!p0 $0x100000, s0;
	[bflag:$0x2] =	sbarrier.arrive $0xFFFF  }
0x1e1: {  	[sflag:s0] =	ssyncadd.tile.s32 @!p0 $0x1;
	_ =	shalt  }
.Lfunc_end2:
_tile_overlayer_lowered:
.L_overlay_start_2:
0x1e2: {  	(tag) =	ssettag $0x2  }
0x1e3: {  	s0 =	rddreg [dreg:$0x0];
	s2 =	stileid.u32  }
0x1e4: {  	s1 =	rddreg [dreg:$0x1];
	p0 =	sne.s32 s2, $0x0  }
0x1e5: {  	s3 =	rddreg [dreg:$0x2];
	[bflag:$0x3] =	sbarrier.arrive $0xFFFF;
	s2 =	simm.s32 @!p0 $0x1C02  }
0x1e6: {  	[timem:s3], [sflag:s2] =	dma.local @!p0 [hbm:s0], s1  }
0x1e7: {  	s0 =	simm.s32 @!p0 $0x2  }
0x1e8: {  	_ =	swait.ge @!p0 [sflag:s0], s1  }
0x1e9: {  	s1 =	ssub.s32 @!p0 $0x0, s1;
	[sflag:s0] =	ssyncset.done @!p0 $0x0  }
0x1ea: {  	[sflag:s0] =	ssyncadd.s32 @!p0 s1  }
0x1eb: {  	[bflag:$0x3] =	sbarrier.arrive $0xFFFF  }
0x1ec: {  	_ =	shalt  }

</sc_bundles>
